<compile_context>
chip_gen: v7x
topology: tpu7x:2x2x1
jax: 0.10.2.dev20260603
libtpu: 0.0.44.dev20260713+nightly
codegen_flags: <defaults>
</compile_context>

<pallas_src>
import functools

import jax
import jax.numpy as jnp
from jax import lax
from jax.experimental import pallas as pl
from jax.experimental.pallas import tpu as pltpu
from jax.experimental.pallas import tpu_sc as plsc

_B = 16
_D = 64
_DP = 128
_HW = 1024
_K = 1024
_COMMIT = 0.25
_IMGS = 4
_C = 128

_info = plsc.get_sparse_core_info()
_NW = _info.num_cores * _info.num_subcores
_BPW = (_B * _HW) // _NW

_mesh = plsc.VectorSubcoreMesh(core_axis_name="c", subcore_axis_name="s")


@functools.partial(
    pl.kernel, mesh=_mesh,
    out_type=jax.ShapeDtypeStruct((_B * _HW, _DP), jnp.float32),
    scratch_types=[
        pltpu.VMEM((_BPW,), jnp.int32),
        pltpu.VMEM((_BPW, _DP), jnp.float32),
        pltpu.SemaphoreType.DMA,
    ],
)
def _gather_k(table_hbm, idx_hbm, out_hbm, idx_v, rows_v, sem):
    wid = lax.axis_index("s") * _info.num_cores + lax.axis_index("c")
    base = wid * _BPW
    pltpu.sync_copy(idx_hbm.at[pl.ds(base, _BPW)], idx_v)
    pltpu.async_copy(table_hbm.at[idx_v], rows_v, sem).wait()
    pltpu.sync_copy(rows_v, out_hbm.at[pl.ds(base, _BPW)])


def _vq_body(x_ref, e_ref, idx_ref, loss_ref):
    e = e_ref[...]
    esq = jnp.sum(e * e, axis=1)
    e2 = e + e
    loss = jnp.zeros((), jnp.float32)
    for k in range(_IMGS):
        xb = x_ref[k]
        xt = xb.T
        xsq = jnp.sum(xt * xt, axis=1, keepdims=True)
        mm2 = jax.lax.dot_general(xt, e2, (((1,), (1,)), ((), ())))
        xsqb = jnp.broadcast_to(xsq, (_HW, _C))
        val = (xsqb + esq[0:_C]) - mm2[:, 0:_C]
        gch = jnp.zeros((_HW, _C), jnp.int32)
        for c in range(1, _K // _C):
            d_c = (xsqb + esq[c * _C:(c + 1) * _C]) - mm2[:, c * _C:(c + 1) * _C]
            take = d_c < val
            val = jnp.where(take, d_c, val)
            gch = jnp.where(take, c, gch)
        minv = jnp.min(val, axis=1, keepdims=True)
        lane = jax.lax.broadcasted_iota(jnp.int32, (_HW, _C), 1)
        cand = jnp.where(val == minv, gch * _C + lane, _K)
        idx = jnp.min(cand, axis=1).astype(jnp.int32)
        idx_ref[k, 0, :] = idx
        loss = loss + jnp.sum(minv)
    loss_ref[...] = loss.reshape(1, 1, 1)


def kernel(x, embeddings):
    x3 = x.reshape(_B, _D, _HW)
    idx, loss = pl.pallas_call(
        _vq_body,
        grid=(_B // _IMGS,),
        in_specs=[
            pl.BlockSpec((_IMGS, _D, _HW), lambda i: (i, 0, 0)),
            pl.BlockSpec((_K, _D), lambda i: (0, 0)),
        ],
        out_specs=[
            pl.BlockSpec((_IMGS, 1, _HW), lambda i: (i, 0, 0)),
            pl.BlockSpec((1, 1, 1), lambda i: (i, 0, 0)),
        ],
        out_shape=[
            jax.ShapeDtypeStruct((_B, 1, _HW), jnp.int32),
            jax.ShapeDtypeStruct((_B // _IMGS, 1, 1), jnp.float32),
        ],
    )(x3, embeddings)
    epad = jnp.pad(embeddings, ((0, 0), (0, _DP - _D)))
    qrows = _gather_k(epad, idx.reshape(_B * _HW))
    q_t = qrows[:, :_D].reshape(_B, _HW, _D).transpose(0, 2, 1)
    out = (x3 + (q_t - x3)).reshape(x.shape)
    enc = idx.reshape(_B, _HW)
    d = jnp.sum(loss) / (_B * _D * _HW)
    total_loss = d + _COMMIT * d
    return out, total_loss, enc, embeddings

# --- scband reference (transcript-rebuilt; emitter-appended) ---
"""Pipeline reference for scband-vector-quantizer-1005022347700 (READ-ONLY COPY).

The authoritative reference and input builder live on the scoring server;
editing this copy changes nothing except your own understanding.
"""

import jax, jax.numpy as jnp
import numpy as np

EMBEDDING_DIM = 64
NUM_EMBEDDINGS = 1024
COMMITMENT_COST = 0.25


def setup_inputs(seed: int = 0) -> dict:
    key = jax.random.key(seed)
    k1, k2 = jax.random.split(key)
    x = jax.random.normal(k1, (16, EMBEDDING_DIM, 32, 32), dtype=jnp.float32)
    embeddings = jax.random.uniform(
        k2, (NUM_EMBEDDINGS, EMBEDDING_DIM), dtype=jnp.float32,
        minval=-1.0 / NUM_EMBEDDINGS, maxval=1.0 / NUM_EMBEDDINGS)
    return {"x": x, "embeddings": embeddings}


def reference(x, embeddings):
    # x: [B, C, H, W] -> [B, H, W, C]
    xp = jnp.transpose(x, (0, 2, 3, 1))
    flat_x = xp.reshape(-1, EMBEDDING_DIM)
    distance = (jnp.sum(flat_x ** 2, axis=1, keepdims=True)
                + jnp.sum(embeddings ** 2, axis=1)
                - 2.0 * jnp.matmul(flat_x, embeddings.T))
    encoding_indices = jnp.argmin(distance, axis=1)
    quantized_x = jnp.take(embeddings, encoding_indices, axis=0).reshape(xp.shape)
    dictionary_loss = jnp.mean((jax.lax.stop_gradient(quantized_x) - xp) ** 2)
    commitment_loss = jnp.mean((quantized_x - jax.lax.stop_gradient(xp)) ** 2)
    quantized_st = xp + jax.lax.stop_gradient(quantized_x - xp)
    total_loss = dictionary_loss + COMMITMENT_COST * commitment_loss
    out = jnp.transpose(quantized_st, (0, 3, 1, 2))
    return (out, total_loss, encoding_indices.reshape(xp.shape[0], -1), embeddings)

if __name__ == "__main__":
    import jax
    _d = setup_inputs()
    print(jax.jit(kernel)(*tuple(_d.values())))

</pallas_src>

<mosaic_0001>
#map = affine_map<(d0, d1) -> (0, 0)>
#map1 = affine_map<(d0, d1) -> (0)>
module attributes {stable_mosaic.version = 14 : i64} {
  func.func @_gather_k(%arg0: i32, %arg1: i32, %arg2: memref<1024x128xf32, #tpu.memory_space<hbm>>, %arg3: memref<16384xi32, #tpu.memory_space<hbm>>, %arg4: memref<16384x128xf32, #tpu.memory_space<hbm>>, %arg5: memref<512xi32, #tpu.memory_space<vmem>>, %arg6: memref<512x128xf32, #tpu.memory_space<vmem>>, %arg7: memref<!tpu.dma_semaphore, #tpu.memory_space<semaphore_mem>>) attributes {dimension_semantics = [#tpu.dimension_semantics<core_parallel>, #tpu.dimension_semantics<subcore_parallel>], iteration_bounds = array<i64: 2, 16>, scalar_prefetch = 0 : i64, scratch_operands = 3 : i64, tpu.core_type = #tpu.core_type<sc_vector_subcore>, window_params = [{transform_indices = #map}, {transform_indices = #map1}, {transform_indices = #map}]} {
    %mul3A = arith.constant 2 : i32
    %mul3A_0 = arith.muli %arg1, %mul3A : i32
    %add3A = arith.addi %mul3A_0, %arg0 : i32
    %mul3A_1 = arith.constant 512 : i32
    %mul3A_2 = arith.muli %add3A, %mul3A_1 : i32
    "tpu.region"() ({
      %run_scoped3A = tpu.sem_alloc : memref<!tpu.dma_semaphore, #tpu.memory_space<semaphore_mem>>
      %dma_start3A_7 = tpu.memref_slice %arg3[%mul3A_2] : memref<16384xi32, #tpu.memory_space<hbm>> -> memref<512xi32, #tpu.memory_space<hbm>>
      %dma_start3A_8 = tpu.memref_slice %arg3[%mul3A_2] : memref<16384xi32, #tpu.memory_space<hbm>> -> memref<512xi32, #tpu.memory_space<hbm>>
      tpu.enqueue_dma source(%dma_start3A_8 : memref<512xi32, #tpu.memory_space<hbm>>) target(%arg5 : memref<512xi32, #tpu.memory_space<vmem>>) target_semaphore(%run_scoped3A : memref<!tpu.dma_semaphore, #tpu.memory_space<semaphore_mem>>)
      %dma_wait3A_9 = tpu.memref_slice %arg3[%mul3A_2] : memref<16384xi32, #tpu.memory_space<hbm>> -> memref<512xi32, #tpu.memory_space<hbm>>
      %dma_wait3A_10 = tpu.memref_slice %arg3[%mul3A_2] : memref<16384xi32, #tpu.memory_space<hbm>> -> memref<512xi32, #tpu.memory_space<hbm>>
      tpu.wait_dma2 semaphore(%run_scoped3A : memref<!tpu.dma_semaphore, #tpu.memory_space<semaphore_mem>>) src(%dma_wait3A_10 : memref<512xi32, #tpu.memory_space<hbm>>) dst(%arg5 : memref<512xi32, #tpu.memory_space<vmem>>)
      tpu.yield
    }) : () -> ()
    %dma_start3A = arith.constant 0 : i32
    %dma_start3A_3 = arith.constant 0 : i32
    %dma_start3A_4 = tpu.memref_slice %arg2[%dma_start3A, %dma_start3A_3] : memref<1024x128xf32, #tpu.memory_space<hbm>> -> memref<1024x128xf32, #tpu.memory_space<hbm>>
    tpu.enqueue_indirect_dma source(%dma_start3A_4 : memref<1024x128xf32, #tpu.memory_space<hbm>>) target(%arg6 : memref<512x128xf32, #tpu.memory_space<vmem>>) offsets(%arg5 : memref<512xi32, #tpu.memory_space<vmem>>) semaphore(%arg7 : memref<!tpu.dma_semaphore, #tpu.memory_space<semaphore_mem>>)
    %dma_wait3A = arith.constant 0 : i32
    %dma_wait3A_5 = arith.constant 0 : i32
    %dma_wait3A_6 = tpu.memref_slice %arg2[%dma_wait3A, %dma_wait3A_5] : memref<1024x128xf32, #tpu.memory_space<hbm>> -> memref<1024x128xf32, #tpu.memory_space<hbm>>
    tpu.wait_indirect_dma semaphore(%arg7 : memref<!tpu.dma_semaphore, #tpu.memory_space<semaphore_mem>>) src(%dma_wait3A_6 : memref<1024x128xf32, #tpu.memory_space<hbm>>) dst(%arg6 : memref<512x128xf32, #tpu.memory_space<vmem>>)
    "tpu.region"() ({
      %run_scoped3A = tpu.sem_alloc : memref<!tpu.dma_semaphore, #tpu.memory_space<semaphore_mem>>
      %dma_start3A_7 = arith.constant 0 : i32
      %dma_start3A_8 = tpu.memref_slice %arg4[%mul3A_2, %dma_start3A_7] : memref<16384x128xf32, #tpu.memory_space<hbm>> -> memref<512x128xf32, #tpu.memory_space<hbm>>
      %dma_start3A_9 = arith.constant 0 : i32
      %dma_start3A_10 = tpu.memref_slice %arg4[%mul3A_2, %dma_start3A_9] : memref<16384x128xf32, #tpu.memory_space<hbm>> -> memref<512x128xf32, #tpu.memory_space<hbm>>
      tpu.enqueue_dma source(%arg6 : memref<512x128xf32, #tpu.memory_space<vmem>>) target(%dma_start3A_10 : memref<512x128xf32, #tpu.memory_space<hbm>>) target_semaphore(%run_scoped3A : memref<!tpu.dma_semaphore, #tpu.memory_space<semaphore_mem>>)
      %dma_wait3A_11 = arith.constant 0 : i32
      %dma_wait3A_12 = tpu.memref_slice %arg4[%mul3A_2, %dma_wait3A_11] : memref<16384x128xf32, #tpu.memory_space<hbm>> -> memref<512x128xf32, #tpu.memory_space<hbm>>
      %dma_wait3A_13 = arith.constant 0 : i32
      %dma_wait3A_14 = tpu.memref_slice %arg4[%mul3A_2, %dma_wait3A_13] : memref<16384x128xf32, #tpu.memory_space<hbm>> -> memref<512x128xf32, #tpu.memory_space<hbm>>
      tpu.wait_dma2 semaphore(%run_scoped3A : memref<!tpu.dma_semaphore, #tpu.memory_space<semaphore_mem>>) src(%arg6 : memref<512x128xf32, #tpu.memory_space<vmem>>) dst(%dma_wait3A_14 : memref<512x128xf32, #tpu.memory_space<hbm>>)
      tpu.yield
    }) : () -> ()
    return
  }
}

module attributes {stable_mosaic.version = 14 : i64} {
  func.func @_vq_body(%arg0: i32, %arg1: memref<4x64x1024xf32, #tpu.memory_space<vmem>>, %arg2: memref<1024x64xf32, #tpu.memory_space<vmem>>, %arg3: memref<4x1x1024xi32, #tpu.memory_space<vmem>>, %arg4: memref<1x1x1xf32, #tpu.memory_space<vmem>>) attributes {dimension_semantics = [#tpu.dimension_semantics<arbitrary>], iteration_bounds = array<i64: 4>, scalar_prefetch = 0 : i64, scratch_operands = 0 : i64, tpu.core_type = #tpu.core_type<tc>, window_params = [{transform_indices = @transform_0, window_bounds = array<i64: 4, 64, 1024>}, {pipeline_mode = #tpu.pipeline_mode<synchronous>, transform_indices = @transform_1, window_bounds = array<i64: 1024, 64>}, {transform_indices = @transform_2, window_bounds = array<i64: 4, 1, 1024>}, {transform_indices = @transform_3, window_bounds = array<i64: 1, 1, 1>}]} {
    %get3A = arith.constant 0 : index
    %get3A_0 = arith.constant 0 : index
    %get3A_1 = vector.load %arg2[%get3A, %get3A_0] : memref<1024x64xf32, #tpu.memory_space<vmem>>, vector<1024x64xf32>
    %mul3A = arith.mulf %get3A_1, %get3A_1 : vector<1024x64xf32>
    %reduce_sum3A = arith.constant dense<0.000000e+00> : vector<1024xf32>
    %reduce_sum3A_2 = vector.multi_reduction <add>, %mul3A, %reduce_sum3A [1] : vector<1024x64xf32> to vector<1024xf32>
    %add3A = arith.addf %get3A_1, %get3A_1 : vector<1024x64xf32>
    %get3A_3 = arith.constant 0 : index
    %get3A_4 = arith.constant 0 : index
    %get3A_5 = arith.constant 0 : index
    %get3A_6 = vector.load %arg1[%get3A_3, %get3A_4, %get3A_5] : memref<4x64x1024xf32, #tpu.memory_space<vmem>>, vector<1x64x1024xf32>
    %get3A_7 = vector.shape_cast %get3A_6 : vector<1x64x1024xf32> to vector<64x1024xf32>
    %transpose3A = tpu.transpose %get3A_7, [1, 0] : vector<64x1024xf32> -> vector<1024x64xf32>
    %mul3A_8 = arith.mulf %transpose3A, %transpose3A : vector<1024x64xf32>
    %reduce_sum3A_9 = arith.constant dense<0.000000e+00> : vector<1024xf32>
    %reduce_sum3A_10 = vector.multi_reduction <add>, %mul3A_8, %reduce_sum3A_9 [1] : vector<1024x64xf32> to vector<1024xf32>
    %broadcast_in_dim3A = vector.shape_cast %reduce_sum3A_10 : vector<1024xf32> to vector<1024x1xf32>
    %dot_general3A = arith.constant dense<0.000000e+00> : vector<1024x1024xf32>
    %dot_general3A_11 = tpu.matmul %transpose3A, %add3A, %dot_general3A {dimension_numbers = #tpu.dot_dimension_numbers<[1], [1], [0], [0], [0, 0, 1, 0], [], []>, transpose_lhs_hint = false} : vector<1024x64xf32>, vector<1024x64xf32>, vector<1024x1024xf32> -> vector<1024x1024xf32>
    %broadcast_in_dim3A_12 = vector.shape_cast %broadcast_in_dim3A : vector<1024x1xf32> to vector<1024x1xf32>
    %broadcast_in_dim3A_13 = vector.broadcast %broadcast_in_dim3A_12 : vector<1024x1xf32> to vector<1024x128xf32>
    %slice3A = vector.extract_strided_slice %reduce_sum3A_2 {offsets = [0], sizes = [128], strides = [1]} : vector<1024xf32> to vector<128xf32>
    %broadcast_in_dim3A_14 = vector.shape_cast %slice3A : vector<128xf32> to vector<1x128xf32>
    %add3A_15 = vector.broadcast %broadcast_in_dim3A_14 : vector<1x128xf32> to vector<1024x128xf32>
    %add3A_16 = arith.addf %broadcast_in_dim3A_13, %add3A_15 : vector<1024x128xf32>
    %slice3A_17 = vector.extract_strided_slice %dot_general3A_11 {offsets = [0, 0], sizes = [1024, 128], strides = [1, 1]} : vector<1024x1024xf32> to vector<1024x128xf32>
    %sub3A = arith.subf %add3A_16, %slice3A_17 : vector<1024x128xf32>
    %broadcast_in_dim3A_18 = arith.constant 0 : i32
    %broadcast_in_dim3A_19 = vector.broadcast %broadcast_in_dim3A_18 : i32 to vector<1024x128xi32>
    %slice3A_20 = vector.extract_strided_slice %reduce_sum3A_2 {offsets = [128], sizes = [128], strides = [1]} : vector<1024xf32> to vector<128xf32>
    %broadcast_in_dim3A_21 = vector.shape_cast %slice3A_20 : vector<128xf32> to vector<1x128xf32>
    %add3A_22 = vector.broadcast %broadcast_in_dim3A_21 : vector<1x128xf32> to vector<1024x128xf32>
    %add3A_23 = arith.addf %broadcast_in_dim3A_13, %add3A_22 : vector<1024x128xf32>
    %slice3A_24 = vector.extract_strided_slice %dot_general3A_11 {offsets = [0, 128], sizes = [1024, 128], strides = [1, 1]} : vector<1024x1024xf32> to vector<1024x128xf32>
    %sub3A_25 = arith.subf %add3A_23, %slice3A_24 : vector<1024x128xf32>
    %lt3A = arith.cmpf olt, %sub3A_25, %sub3A : vector<1024x128xf32>
    %select_n3A = arith.select %lt3A, %sub3A_25, %sub3A : vector<1024x128xi1>, vector<1024x128xf32>
    %jit3A = arith.constant 1 : i32
    %broadcast_in_dim3A_26 = vector.broadcast %jit3A : i32 to vector<1024x128xi32>
    %select_n3A_27 = arith.select %lt3A, %broadcast_in_dim3A_26, %broadcast_in_dim3A_19 : vector<1024x128xi1>, vector<1024x128xi32>
    %slice3A_28 = vector.extract_strided_slice %reduce_sum3A_2 {offsets = [256], sizes = [128], strides = [1]} : vector<1024xf32> to vector<128xf32>
    %broadcast_in_dim3A_29 = vector.shape_cast %slice3A_28 : vector<128xf32> to vector<1x128xf32>
    %add3A_30 = vector.broadcast %broadcast_in_dim3A_29 : vector<1x128xf32> to vector<1024x128xf32>
    %add3A_31 = arith.addf %broadcast_in_dim3A_13, %add3A_30 : vector<1024x128xf32>
    %slice3A_32 = vector.extract_strided_slice %dot_general3A_11 {offsets = [0, 256], sizes = [1024, 128], strides = [1, 1]} : vector<1024x1024xf32> to vector<1024x128xf32>
    %sub3A_33 = arith.subf %add3A_31, %slice3A_32 : vector<1024x128xf32>
    %lt3A_34 = arith.cmpf olt, %sub3A_33, %select_n3A : vector<1024x128xf32>
    %select_n3A_35 = arith.select %lt3A_34, %sub3A_33, %select_n3A : vector<1024x128xi1>, vector<1024x128xf32>
    %jit3A_36 = arith.constant 2 : i32
    %broadcast_in_dim3A_37 = vector.broadcast %jit3A_36 : i32 to vector<1024x128xi32>
    %select_n3A_38 = arith.select %lt3A_34, %broadcast_in_dim3A_37, %select_n3A_27 : vector<1024x128xi1>, vector<1024x128xi32>
    %slice3A_39 = vector.extract_strided_slice %reduce_sum3A_2 {offsets = [384], sizes = [128], strides = [1]} : vector<1024xf32> to vector<128xf32>
    %broadcast_in_dim3A_40 = vector.shape_cast %slice3A_39 : vector<128xf32> to vector<1x128xf32>
    %add3A_41 = vector.broadcast %broadcast_in_dim3A_40 : vector<1x128xf32> to vector<1024x128xf32>
    %add3A_42 = arith.addf %broadcast_in_dim3A_13, %add3A_41 : vector<1024x128xf32>
    %slice3A_43 = vector.extract_strided_slice %dot_general3A_11 {offsets = [0, 384], sizes = [1024, 128], strides = [1, 1]} : vector<1024x1024xf32> to vector<1024x128xf32>
    %sub3A_44 = arith.subf %add3A_42, %slice3A_43 : vector<1024x128xf32>
    %lt3A_45 = arith.cmpf olt, %sub3A_44, %select_n3A_35 : vector<1024x128xf32>
    %select_n3A_46 = arith.select %lt3A_45, %sub3A_44, %select_n3A_35 : vector<1024x128xi1>, vector<1024x128xf32>
    %jit3A_47 = arith.constant 3 : i32
    %broadcast_in_dim3A_48 = vector.broadcast %jit3A_47 : i32 to vector<1024x128xi32>
    %select_n3A_49 = arith.select %lt3A_45, %broadcast_in_dim3A_48, %select_n3A_38 : vector<1024x128xi1>, vector<1024x128xi32>
    %slice3A_50 = vector.extract_strided_slice %reduce_sum3A_2 {offsets = [512], sizes = [128], strides = [1]} : vector<1024xf32> to vector<128xf32>
    %broadcast_in_dim3A_51 = vector.shape_cast %slice3A_50 : vector<128xf32> to vector<1x128xf32>
    %add3A_52 = vector.broadcast %broadcast_in_dim3A_51 : vector<1x128xf32> to vector<1024x128xf32>
    %add3A_53 = arith.addf %broadcast_in_dim3A_13, %add3A_52 : vector<1024x128xf32>
    %slice3A_54 = vector.extract_strided_slice %dot_general3A_11 {offsets = [0, 512], sizes = [1024, 128], strides = [1, 1]} : vector<1024x1024xf32> to vector<1024x128xf32>
    %sub3A_55 = arith.subf %add3A_53, %slice3A_54 : vector<1024x128xf32>
    %lt3A_56 = arith.cmpf olt, %sub3A_55, %select_n3A_46 : vector<1024x128xf32>
    %select_n3A_57 = arith.select %lt3A_56, %sub3A_55, %select_n3A_46 : vector<1024x128xi1>, vector<1024x128xf32>
    %jit3A_58 = arith.constant 4 : i32
    %broadcast_in_dim3A_59 = vector.broadcast %jit3A_58 : i32 to vector<1024x128xi32>
    %select_n3A_60 = arith.select %lt3A_56, %broadcast_in_dim3A_59, %select_n3A_49 : vector<1024x128xi1>, vector<1024x128xi32>
    %slice3A_61 = vector.extract_strided_slice %reduce_sum3A_2 {offsets = [640], sizes = [128], strides = [1]} : vector<1024xf32> to vector<128xf32>
    %broadcast_in_dim3A_62 = vector.shape_cast %slice3A_61 : vector<128xf32> to vector<1x128xf32>
    %add3A_63 = vector.broadcast %broadcast_in_dim3A_62 : vector<1x128xf32> to vector<1024x128xf32>
    %add3A_64 = arith.addf %broadcast_in_dim3A_13, %add3A_63 : vector<1024x128xf32>
    %slice3A_65 = vector.extract_strided_slice %dot_general3A_11 {offsets = [0, 640], sizes = [1024, 128], strides = [1, 1]} : vector<1024x1024xf32> to vector<1024x128xf32>
    %sub3A_66 = arith.subf %add3A_64, %slice3A_65 : vector<1024x128xf32>
    %lt3A_67 = arith.cmpf olt, %sub3A_66, %select_n3A_57 : vector<1024x128xf32>
    %select_n3A_68 = arith.select %lt3A_67, %sub3A_66, %select_n3A_57 : vector<1024x128xi1>, vector<1024x128xf32>
    %jit3A_69 = arith.constant 5 : i32
    %broadcast_in_dim3A_70 = vector.broadcast %jit3A_69 : i32 to vector<1024x128xi32>
    %select_n3A_71 = arith.select %lt3A_67, %broadcast_in_dim3A_70, %select_n3A_60 : vector<1024x128xi1>, vector<1024x128xi32>
    %slice3A_72 = vector.extract_strided_slice %reduce_sum3A_2 {offsets = [768], sizes = [128], strides = [1]} : vector<1024xf32> to vector<128xf32>
    %broadcast_in_dim3A_73 = vector.shape_cast %slice3A_72 : vector<128xf32> to vector<1x128xf32>
    %add3A_74 = vector.broadcast %broadcast_in_dim3A_73 : vector<1x128xf32> to vector<1024x128xf32>
    %add3A_75 = arith.addf %broadcast_in_dim3A_13, %add3A_74 : vector<1024x128xf32>
    %slice3A_76 = vector.extract_strided_slice %dot_general3A_11 {offsets = [0, 768], sizes = [1024, 128], strides = [1, 1]} : vector<1024x1024xf32> to vector<1024x128xf32>
    %sub3A_77 = arith.subf %add3A_75, %slice3A_76 : vector<1024x128xf32>
    %lt3A_78 = arith.cmpf olt, %sub3A_77, %select_n3A_68 : vector<1024x128xf32>
    %select_n3A_79 = arith.select %lt3A_78, %sub3A_77, %select_n3A_68 : vector<1024x128xi1>, vector<1024x128xf32>
    %jit3A_80 = arith.constant 6 : i32
    %broadcast_in_dim3A_81 = vector.broadcast %jit3A_80 : i32 to vector<1024x128xi32>
    %select_n3A_82 = arith.select %lt3A_78, %broadcast_in_dim3A_81, %select_n3A_71 : vector<1024x128xi1>, vector<1024x128xi32>
    %slice3A_83 = vector.extract_strided_slice %reduce_sum3A_2 {offsets = [896], sizes = [128], strides = [1]} : vector<1024xf32> to vector<128xf32>
    %broadcast_in_dim3A_84 = vector.shape_cast %slice3A_83 : vector<128xf32> to vector<1x128xf32>
    %add3A_85 = vector.broadcast %broadcast_in_dim3A_84 : vector<1x128xf32> to vector<1024x128xf32>
    %add3A_86 = arith.addf %broadcast_in_dim3A_13, %add3A_85 : vector<1024x128xf32>
    %slice3A_87 = vector.extract_strided_slice %dot_general3A_11 {offsets = [0, 896], sizes = [1024, 128], strides = [1, 1]} : vector<1024x1024xf32> to vector<1024x128xf32>
    %sub3A_88 = arith.subf %add3A_86, %slice3A_87 : vector<1024x128xf32>
    %lt3A_89 = arith.cmpf olt, %sub3A_88, %select_n3A_79 : vector<1024x128xf32>
    %select_n3A_90 = arith.select %lt3A_89, %sub3A_88, %select_n3A_79 : vector<1024x128xi1>, vector<1024x128xf32>
    %jit3A_91 = arith.constant 7 : i32
    %broadcast_in_dim3A_92 = vector.broadcast %jit3A_91 : i32 to vector<1024x128xi32>
    %select_n3A_93 = arith.select %lt3A_89, %broadcast_in_dim3A_92, %select_n3A_82 : vector<1024x128xi1>, vector<1024x128xi32>
    %reduce_min3A = arith.constant dense<0x7F800000> : vector<1024xf32>
    %reduce_min3A_94 = vector.multi_reduction <minimumf>, %select_n3A_90, %reduce_min3A [1] : vector<1024x128xf32> to vector<1024xf32>
    %broadcast_in_dim3A_95 = vector.shape_cast %reduce_min3A_94 : vector<1024xf32> to vector<1024x1xf32>
    %iota3A = tpu.iota {dimensions = array<i32: 1>} : vector<1024x128xi32>
    %eq3A = vector.broadcast %broadcast_in_dim3A_95 : vector<1024x1xf32> to vector<1024x128xf32>
    %eq3A_96 = arith.cmpf oeq, %select_n3A_90, %eq3A : vector<1024x128xf32>
    %mul3A_97 = arith.constant 128 : i32
    %mul3A_98 = vector.broadcast %mul3A_97 : i32 to vector<1024x128xi32>
    %mul3A_99 = arith.muli %select_n3A_93, %mul3A_98 : vector<1024x128xi32>
    %add3A_100 = arith.addi %mul3A_99, %iota3A : vector<1024x128xi32>
    %jit3A_101 = arith.constant 1024 : i32
    %broadcast_in_dim3A_102 = vector.broadcast %jit3A_101 : i32 to vector<1024x128xi32>
    %select_n3A_103 = arith.select %eq3A_96, %add3A_100, %broadcast_in_dim3A_102 : vector<1024x128xi1>, vector<1024x128xi32>
    %reduce_min3A_104 = arith.constant dense<2147483647> : vector<1024xi32>
    %reduce_min3A_105 = vector.multi_reduction <minsi>, %select_n3A_103, %reduce_min3A_104 [1] : vector<1024x128xi32> to vector<1024xi32>
    %swap3A = arith.constant 0 : index
    %swap3A_106 = arith.constant 0 : index
    %swap3A_107 = arith.constant 0 : index
    %swap3A_108 = vector.load %arg3[%swap3A, %swap3A_106, %swap3A_107] : memref<4x1x1024xi32, #tpu.memory_space<vmem>>, vector<1x1x1024xi32>
    %swap3A_109 = vector.shape_cast %swap3A_108 : vector<1x1x1024xi32> to vector<1024xi32>
    %swap3A_110 = vector.shape_cast %reduce_min3A_105 : vector<1024xi32> to vector<1x1x1024xi32>
    tpu.vector_store %arg3[%swap3A, %swap3A_106, %swap3A_107], %swap3A_110 {strides = array<i32>} : memref<4x1x1024xi32, #tpu.memory_space<vmem>>, vector<1x1x1024xi32>,
    %reduce_sum3A_111 = vector.shape_cast %broadcast_in_dim3A_95 : vector<1024x1xf32> to vector<1x1024x1xf32>
    %reduce_sum3A_112 = arith.constant dense<0.000000e+00> : vector<1xf32>
    %reduce_sum3A_113 = vector.multi_reduction <add>, %reduce_sum3A_111, %reduce_sum3A_112 [1, 2] : vector<1x1024x1xf32> to vector<1xf32>
    %reduce_sum3A_114 = vector.shape_cast %reduce_sum3A_113 : vector<1xf32> to vector<1x1x1xf32>
    %reduce_sum3A_115 = vector.extract %reduce_sum3A_114[0, 0, 0] : f32 from vector<1x1x1xf32>
    %add3A_116 = arith.constant 0.000000e+00 : f32
    %add3A_117 = arith.addf %add3A_116, %reduce_sum3A_115 : f32
    %get3A_118 = arith.constant 1 : index
    %get3A_119 = arith.constant 0 : index
    %get3A_120 = arith.constant 0 : index
    %get3A_121 = vector.load %arg1[%get3A_118, %get3A_119, %get3A_120] : memref<4x64x1024xf32, #tpu.memory_space<vmem>>, vector<1x64x1024xf32>
    %get3A_122 = vector.shape_cast %get3A_121 : vector<1x64x1024xf32> to vector<64x1024xf32>
    %transpose3A_123 = tpu.transpose %get3A_122, [1, 0] : vector<64x1024xf32> -> vector<1024x64xf32>
    %mul3A_124 = arith.mulf %transpose3A_123, %transpose3A_123 : vector<1024x64xf32>
    %reduce_sum3A_125 = arith.constant dense<0.000000e+00> : vector<1024xf32>
    %reduce_sum3A_126 = vector.multi_reduction <add>, %mul3A_124, %reduce_sum3A_125 [1] : vector<1024x64xf32> to vector<1024xf32>
    %broadcast_in_dim3A_127 = vector.shape_cast %reduce_sum3A_126 : vector<1024xf32> to vector<1024x1xf32>
    %dot_general3A_128 = arith.constant dense<0.000000e+00> : vector<1024x1024xf32>
    %dot_general3A_129 = tpu.matmul %transpose3A_123, %add3A, %dot_general3A_128 {dimension_numbers = #tpu.dot_dimension_numbers<[1], [1], [0], [0], [0, 0, 1, 0], [], []>, transpose_lhs_hint = false} : vector<1024x64xf32>, vector<1024x64xf32>, vector<1024x1024xf32> -> vector<1024x1024xf32>
    %broadcast_in_dim3A_130 = vector.shape_cast %broadcast_in_dim3A_127 : vector<1024x1xf32> to vector<1024x1xf32>
    %broadcast_in_dim3A_131 = vector.broadcast %broadcast_in_dim3A_130 : vector<1024x1xf32> to vector<1024x128xf32>
    %slice3A_132 = vector.extract_strided_slice %reduce_sum3A_2 {offsets = [0], sizes = [128], strides = [1]} : vector<1024xf32> to vector<128xf32>
    %broadcast_in_dim3A_133 = vector.shape_cast %slice3A_132 : vector<128xf32> to vector<1x128xf32>
    %add3A_134 = vector.broadcast %broadcast_in_dim3A_133 : vector<1x128xf32> to vector<1024x128xf32>
    %add3A_135 = arith.addf %broadcast_in_dim3A_131, %add3A_134 : vector<1024x128xf32>
    %slice3A_136 = vector.extract_strided_slice %dot_general3A_129 {offsets = [0, 0], sizes = [1024, 128], strides = [1, 1]} : vector<1024x1024xf32> to vector<1024x128xf32>
    %sub3A_137 = arith.subf %add3A_135, %slice3A_136 : vector<1024x128xf32>
    %broadcast_in_dim3A_138 = arith.constant 0 : i32
    %broadcast_in_dim3A_139 = vector.broadcast %broadcast_in_dim3A_138 : i32 to vector<1024x128xi32>
    %slice3A_140 = vector.extract_strided_slice %reduce_sum3A_2 {offsets = [128], sizes = [128], strides = [1]} : vector<1024xf32> to vector<128xf32>
    %broadcast_in_dim3A_141 = vector.shape_cast %slice3A_140 : vector<128xf32> to vector<1x128xf32>
    %add3A_142 = vector.broadcast %broadcast_in_dim3A_141 : vector<1x128xf32> to vector<1024x128xf32>
    %add3A_143 = arith.addf %broadcast_in_dim3A_131, %add3A_142 : vector<1024x128xf32>
    %slice3A_144 = vector.extract_strided_slice %dot_general3A_129 {offsets = [0, 128], sizes = [1024, 128], strides = [1, 1]} : vector<1024x1024xf32> to vector<1024x128xf32>
    %sub3A_145 = arith.subf %add3A_143, %slice3A_144 : vector<1024x128xf32>
    %lt3A_146 = arith.cmpf olt, %sub3A_145, %sub3A_137 : vector<1024x128xf32>
    %select_n3A_147 = arith.select %lt3A_146, %sub3A_145, %sub3A_137 : vector<1024x128xi1>, vector<1024x128xf32>
    %jit3A_148 = arith.constant 1 : i32
    %broadcast_in_dim3A_149 = vector.broadcast %jit3A_148 : i32 to vector<1024x128xi32>
    %select_n3A_150 = arith.select %lt3A_146, %broadcast_in_dim3A_149, %broadcast_in_dim3A_139 : vector<1024x128xi1>, vector<1024x128xi32>
    %slice3A_151 = vector.extract_strided_slice %reduce_sum3A_2 {offsets = [256], sizes = [128], strides = [1]} : vector<1024xf32> to vector<128xf32>
    %broadcast_in_dim3A_152 = vector.shape_cast %slice3A_151 : vector<128xf32> to vector<1x128xf32>
    %add3A_153 = vector.broadcast %broadcast_in_dim3A_152 : vector<1x128xf32> to vector<1024x128xf32>
    %add3A_154 = arith.addf %broadcast_in_dim3A_131, %add3A_153 : vector<1024x128xf32>
    %slice3A_155 = vector.extract_strided_slice %dot_general3A_129 {offsets = [0, 256], sizes = [1024, 128], strides = [1, 1]} : vector<1024x1024xf32> to vector<1024x128xf32>
    %sub3A_156 = arith.subf %add3A_154, %slice3A_155 : vector<1024x128xf32>
    %lt3A_157 = arith.cmpf olt, %sub3A_156, %select_n3A_147 : vector<1024x128xf32>
    %select_n3A_158 = arith.select %lt3A_157, %sub3A_156, %select_n3A_147 : vector<1024x128xi1>, vector<1024x128xf32>
    %jit3A_159 = arith.constant 2 : i32
    %broadcast_in_dim3A_160 = vector.broadcast %jit3A_159 : i32 to vector<1024x128xi32>
    %select_n3A_161 = arith.select %lt3A_157, %broadcast_in_dim3A_160, %select_n3A_150 : vector<1024x128xi1>, vector<1024x128xi32>
    %slice3A_162 = vector.extract_strided_slice %reduce_sum3A_2 {offsets = [384], sizes = [128], strides = [1]} : vector<1024xf32> to vector<128xf32>
    %broadcast_in_dim3A_163 = vector.shape_cast %slice3A_162 : vector<128xf32> to vector<1x128xf32>
    %add3A_164 = vector.broadcast %broadcast_in_dim3A_163 : vector<1x128xf32> to vector<1024x128xf32>
    %add3A_165 = arith.addf %broadcast_in_dim3A_131, %add3A_164 : vector<1024x128xf32>
    %slice3A_166 = vector.extract_strided_slice %dot_general3A_129 {offsets = [0, 384], sizes = [1024, 128], strides = [1, 1]} : vector<1024x1024xf32> to vector<1024x128xf32>
    %sub3A_167 = arith.subf %add3A_165, %slice3A_166 : vector<1024x128xf32>
    %lt3A_168 = arith.cmpf olt, %sub3A_167, %select_n3A_158 : vector<1024x128xf32>
    %select_n3A_169 = arith.select %lt3A_168, %sub3A_167, %select_n3A_158 : vector<1024x128xi1>, vector<1024x128xf32>
    %jit3A_170 = arith.constant 3 : i32
    %broadcast_in_dim3A_171 = vector.broadcast %jit3A_170 : i32 to vector<1024x128xi32>
    %select_n3A_172 = arith.select %lt3A_168, %broadcast_in_dim3A_171, %select_n3A_161 : vector<1024x128xi1>, vector<1024x128xi32>
    %slice3A_173 = vector.extract_strided_slice %reduce_sum3A_2 {offsets = [512], sizes = [128], strides = [1]} : vector<1024xf32> to vector<128xf32>
    %broadcast_in_dim3A_174 = vector.shape_cast %slice3A_173 : vector<128xf32> to vector<1x128xf32>
    %add3A_175 = vector.broadcast %broadcast_in_dim3A_174 : vector<1x128xf32> to vector<1024x128xf32>
    %add3A_176 = arith.addf %broadcast_in_dim3A_131, %add3A_175 : vector<1024x128xf32>
    %slice3A_177 = vector.extract_strided_slice %dot_general3A_129 {offsets = [0, 512], sizes = [1024, 128], strides = [1, 1]} : vector<1024x1024xf32> to vector<1024x128xf32>
    %sub3A_178 = arith.subf %add3A_176, %slice3A_177 : vector<1024x128xf32>
    %lt3A_179 = arith.cmpf olt, %sub3A_178, %select_n3A_169 : vector<1024x128xf32>
    %select_n3A_180 = arith.select %lt3A_179, %sub3A_178, %select_n3A_169 : vector<1024x128xi1>, vector<1024x128xf32>
    %jit3A_181 = arith.constant 4 : i32
    %broadcast_in_dim3A_182 = vector.broadcast %jit3A_181 : i32 to vector<1024x128xi32>
    %select_n3A_183 = arith.select %lt3A_179, %broadcast_in_dim3A_182, %select_n3A_172 : vector<1024x128xi1>, vector<1024x128xi32>
    %slice3A_184 = vector.extract_strided_slice %reduce_sum3A_2 {offsets = [640], sizes = [128], strides = [1]} : vector<1024xf32> to vector<128xf32>
    %broadcast_in_dim3A_185 = vector.shape_cast %slice3A_184 : vector<128xf32> to vector<1x128xf32>
    %add3A_186 = vector.broadcast %broadcast_in_dim3A_185 : vector<1x128xf32> to vector<1024x128xf32>
    %add3A_187 = arith.addf %broadcast_in_dim3A_131, %add3A_186 : vector<1024x128xf32>
    %slice3A_188 = vector.extract_strided_slice %dot_general3A_129 {offsets = [0, 640], sizes = [1024, 128], strides = [1, 1]} : vector<1024x1024xf32> to vector<1024x128xf32>
    %sub3A_189 = arith.subf %add3A_187, %slice3A_188 : vector<1024x128xf32>
    %lt3A_190 = arith.cmpf olt, %sub3A_189, %select_n3A_180 : vector<1024x128xf32>
    %select_n3A_191 = arith.select %lt3A_190, %sub3A_189, %select_n3A_180 : vector<1024x128xi1>, vector<1024x128xf32>
    %jit3A_192 = arith.constant 5 : i32
    %broadcast_in_dim3A_193 = vector.broadcast %jit3A_192 : i32 to vector<1024x128xi32>
    %select_n3A_194 = arith.select %lt3A_190, %broadcast_in_dim3A_193, %select_n3A_183 : vector<1024x128xi1>, vector<1024x128xi32>
    %slice3A_195 = vector.extract_strided_slice %reduce_sum3A_2 {offsets = [768], sizes = [128], strides = [1]} : vector<1024xf32> to vector<128xf32>
    %broadcast_in_dim3A_196 = vector.shape_cast %slice3A_195 : vector<128xf32> to vector<1x128xf32>
    %add3A_197 = vector.broadcast %broadcast_in_dim3A_196 : vector<1x128xf32> to vector<1024x128xf32>
    %add3A_198 = arith.addf %broadcast_in_dim3A_131, %add3A_197 : vector<1024x128xf32>
    %slice3A_199 = vector.extract_strided_slice %dot_general3A_129 {offsets = [0, 768], sizes = [1024, 128], strides = [1, 1]} : vector<1024x1024xf32> to vector<1024x128xf32>
    %sub3A_200 = arith.subf %add3A_198, %slice3A_199 : vector<1024x128xf32>
    %lt3A_201 = arith.cmpf olt, %sub3A_200, %select_n3A_191 : vector<1024x128xf32>
    %select_n3A_202 = arith.select %lt3A_201, %sub3A_200, %select_n3A_191 : vector<1024x128xi1>, vector<1024x128xf32>
    %jit3A_203 = arith.constant 6 : i32
    %broadcast_in_dim3A_204 = vector.broadcast %jit3A_203 : i32 to vector<1024x128xi32>
    %select_n3A_205 = arith.select %lt3A_201, %broadcast_in_dim3A_204, %select_n3A_194 : vector<1024x128xi1>, vector<1024x128xi32>
    %slice3A_206 = vector.extract_strided_slice %reduce_sum3A_2 {offsets = [896], sizes = [128], strides = [1]} : vector<1024xf32> to vector<128xf32>
    %broadcast_in_dim3A_207 = vector.shape_cast %slice3A_206 : vector<128xf32> to vector<1x128xf32>
    %add3A_208 = vector.broadcast %broadcast_in_dim3A_207 : vector<1x128xf32> to vector<1024x128xf32>
    %add3A_209 = arith.addf %broadcast_in_dim3A_131, %add3A_208 : vector<1024x128xf32>
    %slice3A_210 = vector.extract_strided_slice %dot_general3A_129 {offsets = [0, 896], sizes = [1024, 128], strides = [1, 1]} : vector<1024x1024xf32> to vector<1024x128xf32>
    %sub3A_211 = arith.subf %add3A_209, %slice3A_210 : vector<1024x128xf32>
    %lt3A_212 = arith.cmpf olt, %sub3A_211, %select_n3A_202 : vector<1024x128xf32>
    %select_n3A_213 = arith.select %lt3A_212, %sub3A_211, %select_n3A_202 : vector<1024x128xi1>, vector<1024x128xf32>
    %jit3A_214 = arith.constant 7 : i32
    %broadcast_in_dim3A_215 = vector.broadcast %jit3A_214 : i32 to vector<1024x128xi32>
    %select_n3A_216 = arith.select %lt3A_212, %broadcast_in_dim3A_215, %select_n3A_205 : vector<1024x128xi1>, vector<1024x128xi32>
    %reduce_min3A_217 = arith.constant dense<0x7F800000> : vector<1024xf32>
    %reduce_min3A_218 = vector.multi_reduction <minimumf>, %select_n3A_213, %reduce_min3A_217 [1] : vector<1024x128xf32> to vector<1024xf32>
    %broadcast_in_dim3A_219 = vector.shape_cast %reduce_min3A_218 : vector<1024xf32> to vector<1024x1xf32>
    %iota3A_220 = tpu.iota {dimensions = array<i32: 1>} : vector<1024x128xi32>
    %eq3A_221 = vector.broadcast %broadcast_in_dim3A_219 : vector<1024x1xf32> to vector<1024x128xf32>
    %eq3A_222 = arith.cmpf oeq, %select_n3A_213, %eq3A_221 : vector<1024x128xf32>
    %mul3A_223 = arith.constant 128 : i32
    %mul3A_224 = vector.broadcast %mul3A_223 : i32 to vector<1024x128xi32>
    %mul3A_225 = arith.muli %select_n3A_216, %mul3A_224 : vector<1024x128xi32>
    %add3A_226 = arith.addi %mul3A_225, %iota3A_220 : vector<1024x128xi32>
    %jit3A_227 = arith.constant 1024 : i32
    %broadcast_in_dim3A_228 = vector.broadcast %jit3A_227 : i32 to vector<1024x128xi32>
    %select_n3A_229 = arith.select %eq3A_222, %add3A_226, %broadcast_in_dim3A_228 : vector<1024x128xi1>, vector<1024x128xi32>
    %reduce_min3A_230 = arith.constant dense<2147483647> : vector<1024xi32>
    %reduce_min3A_231 = vector.multi_reduction <minsi>, %select_n3A_229, %reduce_min3A_230 [1] : vector<1024x128xi32> to vector<1024xi32>
    %swap3A_232 = arith.constant 1 : index
    %swap3A_233 = arith.constant 0 : index
    %swap3A_234 = arith.constant 0 : index
    %swap3A_235 = vector.load %arg3[%swap3A_232, %swap3A_233, %swap3A_234] : memref<4x1x1024xi32, #tpu.memory_space<vmem>>, vector<1x1x1024xi32>
    %swap3A_236 = vector.shape_cast %swap3A_235 : vector<1x1x1024xi32> to vector<1024xi32>
    %swap3A_237 = vector.shape_cast %reduce_min3A_231 : vector<1024xi32> to vector<1x1x1024xi32>
    tpu.vector_store %arg3[%swap3A_232, %swap3A_233, %swap3A_234], %swap3A_237 {strides = array<i32>} : memref<4x1x1024xi32, #tpu.memory_space<vmem>>, vector<1x1x1024xi32>,
    %reduce_sum3A_238 = vector.shape_cast %broadcast_in_dim3A_219 : vector<1024x1xf32> to vector<1x1024x1xf32>
    %reduce_sum3A_239 = arith.constant dense<0.000000e+00> : vector<1xf32>
    %reduce_sum3A_240 = vector.multi_reduction <add>, %reduce_sum3A_238, %reduce_sum3A_239 [1, 2] : vector<1x1024x1xf32> to vector<1xf32>
    %reduce_sum3A_241 = vector.shape_cast %reduce_sum3A_240 : vector<1xf32> to vector<1x1x1xf32>
    %reduce_sum3A_242 = vector.extract %reduce_sum3A_241[0, 0, 0] : f32 from vector<1x1x1xf32>
    %add3A_243 = arith.addf %add3A_117, %reduce_sum3A_242 : f32
    %get3A_244 = arith.constant 2 : index
    %get3A_245 = arith.constant 0 : index
    %get3A_246 = arith.constant 0 : index
    %get3A_247 = vector.load %arg1[%get3A_244, %get3A_245, %get3A_246] : memref<4x64x1024xf32, #tpu.memory_space<vmem>>, vector<1x64x1024xf32>
    %get3A_248 = vector.shape_cast %get3A_247 : vector<1x64x1024xf32> to vector<64x1024xf32>
    %transpose3A_249 = tpu.transpose %get3A_248, [1, 0] : vector<64x1024xf32> -> vector<1024x64xf32>
    %mul3A_250 = arith.mulf %transpose3A_249, %transpose3A_249 : vector<1024x64xf32>
    %reduce_sum3A_251 = arith.constant dense<0.000000e+00> : vector<1024xf32>
    %reduce_sum3A_252 = vector.multi_reduction <add>, %mul3A_250, %reduce_sum3A_251 [1] : vector<1024x64xf32> to vector<1024xf32>
    %broadcast_in_dim3A_253 = vector.shape_cast %reduce_sum3A_252 : vector<1024xf32> to vector<1024x1xf32>
    %dot_general3A_254 = arith.constant dense<0.000000e+00> : vector<1024x1024xf32>
    %dot_general3A_255 = tpu.matmul %transpose3A_249, %add3A, %dot_general3A_254 {dimension_numbers = #tpu.dot_dimension_numbers<[1], [1], [0], [0], [0, 0, 1, 0], [], []>, transpose_lhs_hint = false} : vector<1024x64xf32>, vector<1024x64xf32>, vector<1024x1024xf32> -> vector<1024x1024xf32>
    %broadcast_in_dim3A_256 = vector.shape_cast %broadcast_in_dim3A_253 : vector<1024x1xf32> to vector<1024x1xf32>
    %broadcast_in_dim3A_257 = vector.broadcast %broadcast_in_dim3A_256 : vector<1024x1xf32> to vector<1024x128xf32>
    %slice3A_258 = vector.extract_strided_slice %reduce_sum3A_2 {offsets = [0], sizes = [128], strides = [1]} : vector<1024xf32> to vector<128xf32>
    %broadcast_in_dim3A_259 = vector.shape_cast %slice3A_258 : vector<128xf32> to vector<1x128xf32>
    %add3A_260 = vector.broadcast %broadcast_in_dim3A_259 : vector<1x128xf32> to vector<1024x128xf32>
    %add3A_261 = arith.addf %broadcast_in_dim3A_257, %add3A_260 : vector<1024x128xf32>
    %slice3A_262 = vector.extract_strided_slice %dot_general3A_255 {offsets = [0, 0], sizes = [1024, 128], strides = [1, 1]} : vector<1024x1024xf32> to vector<1024x128xf32>
    %sub3A_263 = arith.subf %add3A_261, %slice3A_262 : vector<1024x128xf32>
    %broadcast_in_dim3A_264 = arith.constant 0 : i32
    %broadcast_in_dim3A_265 = vector.broadcast %broadcast_in_dim3A_264 : i32 to vector<1024x128xi32>
    %slice3A_266 = vector.extract_strided_slice %reduce_sum3A_2 {offsets = [128], sizes = [128], strides = [1]} : vector<1024xf32> to vector<128xf32>
    %broadcast_in_dim3A_267 = vector.shape_cast %slice3A_266 : vector<128xf32> to vector<1x128xf32>
    %add3A_268 = vector.broadcast %broadcast_in_dim3A_267 : vector<1x128xf32> to vector<1024x128xf32>
    %add3A_269 = arith.addf %broadcast_in_dim3A_257, %add3A_268 : vector<1024x128xf32>
    %slice3A_270 = vector.extract_strided_slice %dot_general3A_255 {offsets = [0, 128], sizes = [1024, 128], strides = [1, 1]} : vector<1024x1024xf32> to vector<1024x128xf32>
    %sub3A_271 = arith.subf %add3A_269, %slice3A_270 : vector<1024x128xf32>
    %lt3A_272 = arith.cmpf olt, %sub3A_271, %sub3A_263 : vector<1024x128xf32>
    %select_n3A_273 = arith.select %lt3A_272, %sub3A_271, %sub3A_263 : vector<1024x128xi1>, vector<1024x128xf32>
    %jit3A_274 = arith.constant 1 : i32
    %broadcast_in_dim3A_275 = vector.broadcast %jit3A_274 : i32 to vector<1024x128xi32>
    %select_n3A_276 = arith.select %lt3A_272, %broadcast_in_dim3A_275, %broadcast_in_dim3A_265 : vector<1024x128xi1>, vector<1024x128xi32>
    %slice3A_277 = vector.extract_strided_slice %reduce_sum3A_2 {offsets = [256], sizes = [128], strides = [1]} : vector<1024xf32> to vector<128xf32>
    %broadcast_in_dim3A_278 = vector.shape_cast %slice3A_277 : vector<128xf32> to vector<1x128xf32>
    %add3A_279 = vector.broadcast %broadcast_in_dim3A_278 : vector<1x128xf32> to vector<1024x128xf32>
    %add3A_280 = arith.addf %broadcast_in_dim3A_257, %add3A_279 : vector<1024x128xf32>
    %slice3A_281 = vector.extract_strided_slice %dot_general3A_255 {offsets = [0, 256], sizes = [1024, 128], strides = [1, 1]} : vector<1024x1024xf32> to vector<1024x128xf32>
    %sub3A_282 = arith.subf %add3A_280, %slice3A_281 : vector<1024x128xf32>
    %lt3A_283 = arith.cmpf olt, %sub3A_282, %select_n3A_273 : vector<1024x128xf32>
    %select_n3A_284 = arith.select %lt3A_283, %sub3A_282, %select_n3A_273 : vector<1024x128xi1>, vector<1024x128xf32>
    %jit3A_285 = arith.constant 2 : i32
    %broadcast_in_dim3A_286 = vector.broadcast %jit3A_285 : i32 to vector<1024x128xi32>
    %select_n3A_287 = arith.select %lt3A_283, %broadcast_in_dim3A_286, %select_n3A_276 : vector<1024x128xi1>, vector<1024x128xi32>
    %slice3A_288 = vector.extract_strided_slice %reduce_sum3A_2 {offsets = [384], sizes = [128], strides = [1]} : vector<1024xf32> to vector<128xf32>
    %broadcast_in_dim3A_289 = vector.shape_cast %slice3A_288 : vector<128xf32> to vector<1x128xf32>
    %add3A_290 = vector.broadcast %broadcast_in_dim3A_289 : vector<1x128xf32> to vector<1024x128xf32>
    %add3A_291 = arith.addf %broadcast_in_dim3A_257, %add3A_290 : vector<1024x128xf32>
    %slice3A_292 = vector.extract_strided_slice %dot_general3A_255 {offsets = [0, 384], sizes = [1024, 128], strides = [1, 1]} : vector<1024x1024xf32> to vector<1024x128xf32>
    %sub3A_293 = arith.subf %add3A_291, %slice3A_292 : vector<1024x128xf32>
    %lt3A_294 = arith.cmpf olt, %sub3A_293, %select_n3A_284 : vector<1024x128xf32>
    %select_n3A_295 = arith.select %lt3A_294, %sub3A_293, %select_n3A_284 : vector<1024x128xi1>, vector<1024x128xf32>
    %jit3A_296 = arith.constant 3 : i32
    %broadcast_in_dim3A_297 = vector.broadcast %jit3A_296 : i32 to vector<1024x128xi32>
    %select_n3A_298 = arith.select %lt3A_294, %broadcast_in_dim3A_297, %select_n3A_287 : vector<1024x128xi1>, vector<1024x128xi32>
    %slice3A_299 = vector.extract_strided_slice %reduce_sum3A_2 {offsets = [512], sizes = [128], strides = [1]} : vector<1024xf32> to vector<128xf32>
    %broadcast_in_dim3A_300 = vector.shape_cast %slice3A_299 : vector<128xf32> to vector<1x128xf32>
    %add3A_301 = vector.broadcast %broadcast_in_dim3A_300 : vector<1x128xf32> to vector<1024x128xf32>
    %add3A_302 = arith.addf %broadcast_in_dim3A_257, %add3A_301 : vector<1024x128xf32>
    %slice3A_303 = vector.extract_strided_slice %dot_general3A_255 {offsets = [0, 512], sizes = [1024, 128], strides = [1, 1]} : vector<1024x1024xf32> to vector<1024x128xf32>
    %sub3A_304 = arith.subf %add3A_302, %slice3A_303 : vector<1024x128xf32>
    %lt3A_305 = arith.cmpf olt, %sub3A_304, %select_n3A_295 : vector<1024x128xf32>
    %select_n3A_306 = arith.select %lt3A_305, %sub3A_304, %select_n3A_295 : vector<1024x128xi1>, vector<1024x128xf32>
    %jit3A_307 = arith.constant 4 : i32
    %broadcast_in_dim3A_308 = vector.broadcast %jit3A_307 : i32 to vector<1024x128xi32>
    %select_n3A_309 = arith.select %lt3A_305, %broadcast_in_dim3A_308, %select_n3A_298 : vector<1024x128xi1>, vector<1024x128xi32>
    %slice3A_310 = vector.extract_strided_slice %reduce_sum3A_2 {offsets = [640], sizes = [128], strides = [1]} : vector<1024xf32> to vector<128xf32>
    %broadcast_in_dim3A_311 = vector.shape_cast %slice3A_310 : vector<128xf32> to vector<1x128xf32>
    %add3A_312 = vector.broadcast %broadcast_in_dim3A_311 : vector<1x128xf32> to vector<1024x128xf32>
    %add3A_313 = arith.addf %broadcast_in_dim3A_257, %add3A_312 : vector<1024x128xf32>
    %slice3A_314 = vector.extract_strided_slice %dot_general3A_255 {offsets = [0, 640], sizes = [1024, 128], strides = [1, 1]} : vector<1024x1024xf32> to vector<1024x128xf32>
    %sub3A_315 = arith.subf %add3A_313, %slice3A_314 : vector<1024x128xf32>
    %lt3A_316 = arith.cmpf olt, %sub3A_315, %select_n3A_306 : vector<1024x128xf32>
    %select_n3A_317 = arith.select %lt3A_316, %sub3A_315, %select_n3A_306 : vector<1024x128xi1>, vector<1024x128xf32>
    %jit3A_318 = arith.constant 5 : i32
    %broadcast_in_dim3A_319 = vector.broadcast %jit3A_318 : i32 to vector<1024x128xi32>
    %select_n3A_320 = arith.select %lt3A_316, %broadcast_in_dim3A_319, %select_n3A_309 : vector<1024x128xi1>, vector<1024x128xi32>
    %slice3A_321 = vector.extract_strided_slice %reduce_sum3A_2 {offsets = [768], sizes = [128], strides = [1]} : vector<1024xf32> to vector<128xf32>
    %broadcast_in_dim3A_322 = vector.shape_cast %slice3A_321 : vector<128xf32> to vector<1x128xf32>
    %add3A_323 = vector.broadcast %broadcast_in_dim3A_322 : vector<1x128xf32> to vector<1024x128xf32>
    %add3A_324 = arith.addf %broadcast_in_dim3A_257, %add3A_323 : vector<1024x128xf32>
    %slice3A_325 = vector.extract_strided_slice %dot_general3A_255 {offsets = [0, 768], sizes = [1024, 128], strides = [1, 1]} : vector<1024x1024xf32> to vector<1024x128xf32>
    %sub3A_326 = arith.subf %add3A_324, %slice3A_325 : vector<1024x128xf32>
    %lt3A_327 = arith.cmpf olt, %sub3A_326, %select_n3A_317 : vector<1024x128xf32>
    %select_n3A_328 = arith.select %lt3A_327, %sub3A_326, %select_n3A_317 : vector<1024x128xi1>, vector<1024x128xf32>
    %jit3A_329 = arith.constant 6 : i32
    %broadcast_in_dim3A_330 = vector.broadcast %jit3A_329 : i32 to vector<1024x128xi32>
    %select_n3A_331 = arith.select %lt3A_327, %broadcast_in_dim3A_330, %select_n3A_320 : vector<1024x128xi1>, vector<1024x128xi32>
    %slice3A_332 = vector.extract_strided_slice %reduce_sum3A_2 {offsets = [896], sizes = [128], strides = [1]} : vector<1024xf32> to vector<128xf32>
    %broadcast_in_dim3A_333 = vector.shape_cast %slice3A_332 : vector<128xf32> to vector<1x128xf32>
    %add3A_334 = vector.broadcast %broadcast_in_dim3A_333 : vector<1x128xf32> to vector<1024x128xf32>
    %add3A_335 = arith.addf %broadcast_in_dim3A_257, %add3A_334 : vector<1024x128xf32>
    %slice3A_336 = vector.extract_strided_slice %dot_general3A_255 {offsets = [0, 896], sizes = [1024, 128], strides = [1, 1]} : vector<1024x1024xf32> to vector<1024x128xf32>
    %sub3A_337 = arith.subf %add3A_335, %slice3A_336 : vector<1024x128xf32>
    %lt3A_338 = arith.cmpf olt, %sub3A_337, %select_n3A_328 : vector<1024x128xf32>
    %select_n3A_339 = arith.select %lt3A_338, %sub3A_337, %select_n3A_328 : vector<1024x128xi1>, vector<1024x128xf32>
    %jit3A_340 = arith.constant 7 : i32
    %broadcast_in_dim3A_341 = vector.broadcast %jit3A_340 : i32 to vector<1024x128xi32>
    %select_n3A_342 = arith.select %lt3A_338, %broadcast_in_dim3A_341, %select_n3A_331 : vector<1024x128xi1>, vector<1024x128xi32>
    %reduce_min3A_343 = arith.constant dense<0x7F800000> : vector<1024xf32>
    %reduce_min3A_344 = vector.multi_reduction <minimumf>, %select_n3A_339, %reduce_min3A_343 [1] : vector<1024x128xf32> to vector<1024xf32>
    %broadcast_in_dim3A_345 = vector.shape_cast %reduce_min3A_344 : vector<1024xf32> to vector<1024x1xf32>
    %iota3A_346 = tpu.iota {dimensions = array<i32: 1>} : vector<1024x128xi32>
    %eq3A_347 = vector.broadcast %broadcast_in_dim3A_345 : vector<1024x1xf32> to vector<1024x128xf32>
    %eq3A_348 = arith.cmpf oeq, %select_n3A_339, %eq3A_347 : vector<1024x128xf32>
    %mul3A_349 = arith.constant 128 : i32
    %mul3A_350 = vector.broadcast %mul3A_349 : i32 to vector<1024x128xi32>
    %mul3A_351 = arith.muli %select_n3A_342, %mul3A_350 : vector<1024x128xi32>
    %add3A_352 = arith.addi %mul3A_351, %iota3A_346 : vector<1024x128xi32>
    %jit3A_353 = arith.constant 1024 : i32
    %broadcast_in_dim3A_354 = vector.broadcast %jit3A_353 : i32 to vector<1024x128xi32>
    %select_n3A_355 = arith.select %eq3A_348, %add3A_352, %broadcast_in_dim3A_354 : vector<1024x128xi1>, vector<1024x128xi32>
    %reduce_min3A_356 = arith.constant dense<2147483647> : vector<1024xi32>
    %reduce_min3A_357 = vector.multi_reduction <minsi>, %select_n3A_355, %reduce_min3A_356 [1] : vector<1024x128xi32> to vector<1024xi32>
    %swap3A_358 = arith.constant 2 : index
    %swap3A_359 = arith.constant 0 : index
    %swap3A_360 = arith.constant 0 : index
    %swap3A_361 = vector.load %arg3[%swap3A_358, %swap3A_359, %swap3A_360] : memref<4x1x1024xi32, #tpu.memory_space<vmem>>, vector<1x1x1024xi32>
    %swap3A_362 = vector.shape_cast %swap3A_361 : vector<1x1x1024xi32> to vector<1024xi32>
    %swap3A_363 = vector.shape_cast %reduce_min3A_357 : vector<1024xi32> to vector<1x1x1024xi32>
    tpu.vector_store %arg3[%swap3A_358, %swap3A_359, %swap3A_360], %swap3A_363 {strides = array<i32>} : memref<4x1x1024xi32, #tpu.memory_space<vmem>>, vector<1x1x1024xi32>,
    %reduce_sum3A_364 = vector.shape_cast %broadcast_in_dim3A_345 : vector<1024x1xf32> to vector<1x1024x1xf32>
    %reduce_sum3A_365 = arith.constant dense<0.000000e+00> : vector<1xf32>
    %reduce_sum3A_366 = vector.multi_reduction <add>, %reduce_sum3A_364, %reduce_sum3A_365 [1, 2] : vector<1x1024x1xf32> to vector<1xf32>
    %reduce_sum3A_367 = vector.shape_cast %reduce_sum3A_366 : vector<1xf32> to vector<1x1x1xf32>
    %reduce_sum3A_368 = vector.extract %reduce_sum3A_367[0, 0, 0] : f32 from vector<1x1x1xf32>
    %add3A_369 = arith.addf %add3A_243, %reduce_sum3A_368 : f32
    %get3A_370 = arith.constant 3 : index
    %get3A_371 = arith.constant 0 : index
    %get3A_372 = arith.constant 0 : index
    %get3A_373 = vector.load %arg1[%get3A_370, %get3A_371, %get3A_372] : memref<4x64x1024xf32, #tpu.memory_space<vmem>>, vector<1x64x1024xf32>
    %get3A_374 = vector.shape_cast %get3A_373 : vector<1x64x1024xf32> to vector<64x1024xf32>
    %transpose3A_375 = tpu.transpose %get3A_374, [1, 0] : vector<64x1024xf32> -> vector<1024x64xf32>
    %mul3A_376 = arith.mulf %transpose3A_375, %transpose3A_375 : vector<1024x64xf32>
    %reduce_sum3A_377 = arith.constant dense<0.000000e+00> : vector<1024xf32>
    %reduce_sum3A_378 = vector.multi_reduction <add>, %mul3A_376, %reduce_sum3A_377 [1] : vector<1024x64xf32> to vector<1024xf32>
    %broadcast_in_dim3A_379 = vector.shape_cast %reduce_sum3A_378 : vector<1024xf32> to vector<1024x1xf32>
    %dot_general3A_380 = arith.constant dense<0.000000e+00> : vector<1024x1024xf32>
    %dot_general3A_381 = tpu.matmul %transpose3A_375, %add3A, %dot_general3A_380 {dimension_numbers = #tpu.dot_dimension_numbers<[1], [1], [0], [0], [0, 0, 1, 0], [], []>, transpose_lhs_hint = false} : vector<1024x64xf32>, vector<1024x64xf32>, vector<1024x1024xf32> -> vector<1024x1024xf32>
    %broadcast_in_dim3A_382 = vector.shape_cast %broadcast_in_dim3A_379 : vector<1024x1xf32> to vector<1024x1xf32>
    %broadcast_in_dim3A_383 = vector.broadcast %broadcast_in_dim3A_382 : vector<1024x1xf32> to vector<1024x128xf32>
    %slice3A_384 = vector.extract_strided_slice %reduce_sum3A_2 {offsets = [0], sizes = [128], strides = [1]} : vector<1024xf32> to vector<128xf32>
    %broadcast_in_dim3A_385 = vector.shape_cast %slice3A_384 : vector<128xf32> to vector<1x128xf32>
    %add3A_386 = vector.broadcast %broadcast_in_dim3A_385 : vector<1x128xf32> to vector<1024x128xf32>
    %add3A_387 = arith.addf %broadcast_in_dim3A_383, %add3A_386 : vector<1024x128xf32>
    %slice3A_388 = vector.extract_strided_slice %dot_general3A_381 {offsets = [0, 0], sizes = [1024, 128], strides = [1, 1]} : vector<1024x1024xf32> to vector<1024x128xf32>
    %sub3A_389 = arith.subf %add3A_387, %slice3A_388 : vector<1024x128xf32>
    %broadcast_in_dim3A_390 = arith.constant 0 : i32
    %broadcast_in_dim3A_391 = vector.broadcast %broadcast_in_dim3A_390 : i32 to vector<1024x128xi32>
    %slice3A_392 = vector.extract_strided_slice %reduce_sum3A_2 {offsets = [128], sizes = [128], strides = [1]} : vector<1024xf32> to vector<128xf32>
    %broadcast_in_dim3A_393 = vector.shape_cast %slice3A_392 : vector<128xf32> to vector<1x128xf32>
    %add3A_394 = vector.broadcast %broadcast_in_dim3A_393 : vector<1x128xf32> to vector<1024x128xf32>
    %add3A_395 = arith.addf %broadcast_in_dim3A_383, %add3A_394 : vector<1024x128xf32>
    %slice3A_396 = vector.extract_strided_slice %dot_general3A_381 {offsets = [0, 128], sizes = [1024, 128], strides = [1, 1]} : vector<1024x1024xf32> to vector<1024x128xf32>
    %sub3A_397 = arith.subf %add3A_395, %slice3A_396 : vector<1024x128xf32>
    %lt3A_398 = arith.cmpf olt, %sub3A_397, %sub3A_389 : vector<1024x128xf32>
    %select_n3A_399 = arith.select %lt3A_398, %sub3A_397, %sub3A_389 : vector<1024x128xi1>, vector<1024x128xf32>
    %jit3A_400 = arith.constant 1 : i32
    %broadcast_in_dim3A_401 = vector.broadcast %jit3A_400 : i32 to vector<1024x128xi32>
    %select_n3A_402 = arith.select %lt3A_398, %broadcast_in_dim3A_401, %broadcast_in_dim3A_391 : vector<1024x128xi1>, vector<1024x128xi32>
    %slice3A_403 = vector.extract_strided_slice %reduce_sum3A_2 {offsets = [256], sizes = [128], strides = [1]} : vector<1024xf32> to vector<128xf32>
    %broadcast_in_dim3A_404 = vector.shape_cast %slice3A_403 : vector<128xf32> to vector<1x128xf32>
    %add3A_405 = vector.broadcast %broadcast_in_dim3A_404 : vector<1x128xf32> to vector<1024x128xf32>
    %add3A_406 = arith.addf %broadcast_in_dim3A_383, %add3A_405 : vector<1024x128xf32>
    %slice3A_407 = vector.extract_strided_slice %dot_general3A_381 {offsets = [0, 256], sizes = [1024, 128], strides = [1, 1]} : vector<1024x1024xf32> to vector<1024x128xf32>
    %sub3A_408 = arith.subf %add3A_406, %slice3A_407 : vector<1024x128xf32>
    %lt3A_409 = arith.cmpf olt, %sub3A_408, %select_n3A_399 : vector<1024x128xf32>
    %select_n3A_410 = arith.select %lt3A_409, %sub3A_408, %select_n3A_399 : vector<1024x128xi1>, vector<1024x128xf32>
    %jit3A_411 = arith.constant 2 : i32
    %broadcast_in_dim3A_412 = vector.broadcast %jit3A_411 : i32 to vector<1024x128xi32>
    %select_n3A_413 = arith.select %lt3A_409, %broadcast_in_dim3A_412, %select_n3A_402 : vector<1024x128xi1>, vector<1024x128xi32>
    %slice3A_414 = vector.extract_strided_slice %reduce_sum3A_2 {offsets = [384], sizes = [128], strides = [1]} : vector<1024xf32> to vector<128xf32>
    %broadcast_in_dim3A_415 = vector.shape_cast %slice3A_414 : vector<128xf32> to vector<1x128xf32>
    %add3A_416 = vector.broadcast %broadcast_in_dim3A_415 : vector<1x128xf32> to vector<1024x128xf32>
    %add3A_417 = arith.addf %broadcast_in_dim3A_383, %add3A_416 : vector<1024x128xf32>
    %slice3A_418 = vector.extract_strided_slice %dot_general3A_381 {offsets = [0, 384], sizes = [1024, 128], strides = [1, 1]} : vector<1024x1024xf32> to vector<1024x128xf32>
    %sub3A_419 = arith.subf %add3A_417, %slice3A_418 : vector<1024x128xf32>
    %lt3A_420 = arith.cmpf olt, %sub3A_419, %select_n3A_410 : vector<1024x128xf32>
    %select_n3A_421 = arith.select %lt3A_420, %sub3A_419, %select_n3A_410 : vector<1024x128xi1>, vector<1024x128xf32>
    %jit3A_422 = arith.constant 3 : i32
    %broadcast_in_dim3A_423 = vector.broadcast %jit3A_422 : i32 to vector<1024x128xi32>
    %select_n3A_424 = arith.select %lt3A_420, %broadcast_in_dim3A_423, %select_n3A_413 : vector<1024x128xi1>, vector<1024x128xi32>
    %slice3A_425 = vector.extract_strided_slice %reduce_sum3A_2 {offsets = [512], sizes = [128], strides = [1]} : vector<1024xf32> to vector<128xf32>
    %broadcast_in_dim3A_426 = vector.shape_cast %slice3A_425 : vector<128xf32> to vector<1x128xf32>
    %add3A_427 = vector.broadcast %broadcast_in_dim3A_426 : vector<1x128xf32> to vector<1024x128xf32>
    %add3A_428 = arith.addf %broadcast_in_dim3A_383, %add3A_427 : vector<1024x128xf32>
    %slice3A_429 = vector.extract_strided_slice %dot_general3A_381 {offsets = [0, 512], sizes = [1024, 128], strides = [1, 1]} : vector<1024x1024xf32> to vector<1024x128xf32>
    %sub3A_430 = arith.subf %add3A_428, %slice3A_429 : vector<1024x128xf32>
    %lt3A_431 = arith.cmpf olt, %sub3A_430, %select_n3A_421 : vector<1024x128xf32>
    %select_n3A_432 = arith.select %lt3A_431, %sub3A_430, %select_n3A_421 : vector<1024x128xi1>, vector<1024x128xf32>
    %jit3A_433 = arith.constant 4 : i32
    %broadcast_in_dim3A_434 = vector.broadcast %jit3A_433 : i32 to vector<1024x128xi32>
    %select_n3A_435 = arith.select %lt3A_431, %broadcast_in_dim3A_434, %select_n3A_424 : vector<1024x128xi1>, vector<1024x128xi32>
    %slice3A_436 = vector.extract_strided_slice %reduce_sum3A_2 {offsets = [640], sizes = [128], strides = [1]} : vector<1024xf32> to vector<128xf32>
    %broadcast_in_dim3A_437 = vector.shape_cast %slice3A_436 : vector<128xf32> to vector<1x128xf32>
    %add3A_438 = vector.broadcast %broadcast_in_dim3A_437 : vector<1x128xf32> to vector<1024x128xf32>
    %add3A_439 = arith.addf %broadcast_in_dim3A_383, %add3A_438 : vector<1024x128xf32>
    %slice3A_440 = vector.extract_strided_slice %dot_general3A_381 {offsets = [0, 640], sizes = [1024, 128], strides = [1, 1]} : vector<1024x1024xf32> to vector<1024x128xf32>
    %sub3A_441 = arith.subf %add3A_439, %slice3A_440 : vector<1024x128xf32>
    %lt3A_442 = arith.cmpf olt, %sub3A_441, %select_n3A_432 : vector<1024x128xf32>
    %select_n3A_443 = arith.select %lt3A_442, %sub3A_441, %select_n3A_432 : vector<1024x128xi1>, vector<1024x128xf32>
    %jit3A_444 = arith.constant 5 : i32
    %broadcast_in_dim3A_445 = vector.broadcast %jit3A_444 : i32 to vector<1024x128xi32>
    %select_n3A_446 = arith.select %lt3A_442, %broadcast_in_dim3A_445, %select_n3A_435 : vector<1024x128xi1>, vector<1024x128xi32>
    %slice3A_447 = vector.extract_strided_slice %reduce_sum3A_2 {offsets = [768], sizes = [128], strides = [1]} : vector<1024xf32> to vector<128xf32>
    %broadcast_in_dim3A_448 = vector.shape_cast %slice3A_447 : vector<128xf32> to vector<1x128xf32>
    %add3A_449 = vector.broadcast %broadcast_in_dim3A_448 : vector<1x128xf32> to vector<1024x128xf32>
    %add3A_450 = arith.addf %broadcast_in_dim3A_383, %add3A_449 : vector<1024x128xf32>
    %slice3A_451 = vector.extract_strided_slice %dot_general3A_381 {offsets = [0, 768], sizes = [1024, 128], strides = [1, 1]} : vector<1024x1024xf32> to vector<1024x128xf32>
    %sub3A_452 = arith.subf %add3A_450, %slice3A_451 : vector<1024x128xf32>
    %lt3A_453 = arith.cmpf olt, %sub3A_452, %select_n3A_443 : vector<1024x128xf32>
    %select_n3A_454 = arith.select %lt3A_453, %sub3A_452, %select_n3A_443 : vector<1024x128xi1>, vector<1024x128xf32>
    %jit3A_455 = arith.constant 6 : i32
    %broadcast_in_dim3A_456 = vector.broadcast %jit3A_455 : i32 to vector<1024x128xi32>
    %select_n3A_457 = arith.select %lt3A_453, %broadcast_in_dim3A_456, %select_n3A_446 : vector<1024x128xi1>, vector<1024x128xi32>
    %slice3A_458 = vector.extract_strided_slice %reduce_sum3A_2 {offsets = [896], sizes = [128], strides = [1]} : vector<1024xf32> to vector<128xf32>
    %broadcast_in_dim3A_459 = vector.shape_cast %slice3A_458 : vector<128xf32> to vector<1x128xf32>
    %add3A_460 = vector.broadcast %broadcast_in_dim3A_459 : vector<1x128xf32> to vector<1024x128xf32>
    %add3A_461 = arith.addf %broadcast_in_dim3A_383, %add3A_460 : vector<1024x128xf32>
    %slice3A_462 = vector.extract_strided_slice %dot_general3A_381 {offsets = [0, 896], sizes = [1024, 128], strides = [1, 1]} : vector<1024x1024xf32> to vector<1024x128xf32>
    %sub3A_463 = arith.subf %add3A_461, %slice3A_462 : vector<1024x128xf32>
    %lt3A_464 = arith.cmpf olt, %sub3A_463, %select_n3A_454 : vector<1024x128xf32>
    %select_n3A_465 = arith.select %lt3A_464, %sub3A_463, %select_n3A_454 : vector<1024x128xi1>, vector<1024x128xf32>
    %jit3A_466 = arith.constant 7 : i32
    %broadcast_in_dim3A_467 = vector.broadcast %jit3A_466 : i32 to vector<1024x128xi32>
    %select_n3A_468 = arith.select %lt3A_464, %broadcast_in_dim3A_467, %select_n3A_457 : vector<1024x128xi1>, vector<1024x128xi32>
    %reduce_min3A_469 = arith.constant dense<0x7F800000> : vector<1024xf32>
    %reduce_min3A_470 = vector.multi_reduction <minimumf>, %select_n3A_465, %reduce_min3A_469 [1] : vector<1024x128xf32> to vector<1024xf32>
    %broadcast_in_dim3A_471 = vector.shape_cast %reduce_min3A_470 : vector<1024xf32> to vector<1024x1xf32>
    %iota3A_472 = tpu.iota {dimensions = array<i32: 1>} : vector<1024x128xi32>
    %eq3A_473 = vector.broadcast %broadcast_in_dim3A_471 : vector<1024x1xf32> to vector<1024x128xf32>
    %eq3A_474 = arith.cmpf oeq, %select_n3A_465, %eq3A_473 : vector<1024x128xf32>
    %mul3A_475 = arith.constant 128 : i32
    %mul3A_476 = vector.broadcast %mul3A_475 : i32 to vector<1024x128xi32>
    %mul3A_477 = arith.muli %select_n3A_468, %mul3A_476 : vector<1024x128xi32>
    %add3A_478 = arith.addi %mul3A_477, %iota3A_472 : vector<1024x128xi32>
    %jit3A_479 = arith.constant 1024 : i32
    %broadcast_in_dim3A_480 = vector.broadcast %jit3A_479 : i32 to vector<1024x128xi32>
    %select_n3A_481 = arith.select %eq3A_474, %add3A_478, %broadcast_in_dim3A_480 : vector<1024x128xi1>, vector<1024x128xi32>
    %reduce_min3A_482 = arith.constant dense<2147483647> : vector<1024xi32>
    %reduce_min3A_483 = vector.multi_reduction <minsi>, %select_n3A_481, %reduce_min3A_482 [1] : vector<1024x128xi32> to vector<1024xi32>
    %swap3A_484 = arith.constant 3 : index
    %swap3A_485 = arith.constant 0 : index
    %swap3A_486 = arith.constant 0 : index
    %swap3A_487 = vector.load %arg3[%swap3A_484, %swap3A_485, %swap3A_486] : memref<4x1x1024xi32, #tpu.memory_space<vmem>>, vector<1x1x1024xi32>
    %swap3A_488 = vector.shape_cast %swap3A_487 : vector<1x1x1024xi32> to vector<1024xi32>
    %swap3A_489 = vector.shape_cast %reduce_min3A_483 : vector<1024xi32> to vector<1x1x1024xi32>
    tpu.vector_store %arg3[%swap3A_484, %swap3A_485, %swap3A_486], %swap3A_489 {strides = array<i32>} : memref<4x1x1024xi32, #tpu.memory_space<vmem>>, vector<1x1x1024xi32>,
    %reduce_sum3A_490 = vector.shape_cast %broadcast_in_dim3A_471 : vector<1024x1xf32> to vector<1x1024x1xf32>
    %reduce_sum3A_491 = arith.constant dense<0.000000e+00> : vector<1xf32>
    %reduce_sum3A_492 = vector.multi_reduction <add>, %reduce_sum3A_490, %reduce_sum3A_491 [1, 2] : vector<1x1024x1xf32> to vector<1xf32>
    %reduce_sum3A_493 = vector.shape_cast %reduce_sum3A_492 : vector<1xf32> to vector<1x1x1xf32>
    %reduce_sum3A_494 = vector.extract %reduce_sum3A_493[0, 0, 0] : f32 from vector<1x1x1xf32>
    %add3A_495 = arith.addf %add3A_369, %reduce_sum3A_494 : f32
    %reshape3A = vector.broadcast %add3A_495 : f32 to vector<1x1x1xf32>
    %swap3A_496 = arith.constant 0 : index
    %swap3A_497 = arith.constant 0 : index
    %swap3A_498 = arith.constant 0 : index
    %swap3A_499 = vector.load %arg4[%swap3A_496, %swap3A_497, %swap3A_498] : memref<1x1x1xf32, #tpu.memory_space<vmem>>, vector<1x1x1xf32>
    tpu.vector_store %arg4[%swap3A_496, %swap3A_497, %swap3A_498], %reshape3A {strides = array<i32>} : memref<1x1x1xf32, #tpu.memory_space<vmem>>, vector<1x1x1xf32>,
    return
  }
  func.func @transform_0(%arg0: i32) -> (i32, i32, i32) {
    %c0_i32 = arith.constant 0 : i32
    %c0_i32_0 = arith.constant 0 : i32
    %c0_i32_1 = arith.constant 0 : i32
    return %arg0, %c0_i32, %c0_i32_0 : i32, i32, i32
  }
  func.func @transform_1(%arg0: i32) -> (i32, i32) {
    %c0_i32 = arith.constant 0 : i32
    %c0_i32_0 = arith.constant 0 : i32
    %c0_i32_1 = arith.constant 0 : i32
    return %c0_i32, %c0_i32_0 : i32, i32
  }
  func.func @transform_2(%arg0: i32) -> (i32, i32, i32) {
    %c0_i32 = arith.constant 0 : i32
    %c0_i32_0 = arith.constant 0 : i32
    %c0_i32_1 = arith.constant 0 : i32
    return %arg0, %c0_i32, %c0_i32_0 : i32, i32, i32
  }
  func.func @transform_3(%arg0: i32) -> (i32, i32, i32) {
    %c0_i32 = arith.constant 0 : i32
    %c0_i32_0 = arith.constant 0 : i32
    %c0_i32_1 = arith.constant 0 : i32
    return %arg0, %c0_i32, %c0_i32_0 : i32, i32, i32
  }
}

</mosaic_0001>

<sc_bundles>
// kernel: kernel.4.cloned.1.call-start
scs
__scs_entry_jumppad:
0x0: {  	(pc) =	sbr.rel $0x88, $3  }
0x1: {  	(tag) =	ssettag $0x0;
	lr =	simm.s32 $0x1  }
0x2: {  	[smem:$0x3F9F] =	sst lr;
	_ =	strace $0xD0000000  }
0x3: {  	_ = 	snop  }
0x4: {  	_ = 	snop  }
0x5: {  	_ = 	snop  }
0x6: {  	_ = 	snop  }
0x7: {  	_ = 	snop  }
__scs_overlays_trampoline_lowered:
0x8: {  	[smem:$0x3FAE] =	sst s0  }
0x9: {  	[smem:$0x3FAF] =	sst s1  }
0xa: {  	[smem:$0x3FB0] =	sst s2  }
0xb: {  	[smem:$0x3FB1] =	sst s3  }
0xc: {  	[smem:$0x3FB2] =	sst s4  }
0xd: {  	[smem:$0x3FB3] =	sst s5  }
0xe: {  	[smem:$0x3FB4] =	sst s6  }
0xf: {  	[smem:$0x3FB5] =	sst s7  }
0x10: {  	[smem:$0x3FB6] =	sst s8  }
0x11: {  	[smem:$0x3FB7] =	sst s9;
	s0 =	simm.s32 @!p0 $0x0  }
0x12: {  	s1 =	sld [smem:$0x3F9D];
	s0 =	simm.s32 @p0 $0x1  }
0x13: {  	[smem:$0x3FB8] =	sst s0;
	s0 =	simm.s32 @!p1 $0x0  }
0x14: {  	s2 =	sld [smem:$0x3F9C];
	s0 =	simm.s32 @p1 $0x1  }
0x15: {  	[smem:$0x3FB9] =	sst s0;
	s0 =	simm.s32 @!p2 $0x0  }
0x16: {  	s3 =	sld [smem:$0x3FDB];
	s0 =	simm.s32 @p2 $0x1  }
0x17: {  	s4 =	simm.s32 $0x1BF5;
	[smem:$0x3FBB] =	sst s0  }
0x18: {  	s0 =	sld [smem:$0x3F9E];
	_ =	swait.ge [sflag:s4], $0x0  }
0x19: {  	s7 =	sld [smem:$0x3F9F]  }
0x1a: {  	s8 =	sadd.s32 $0xFFFFE003, lr  }
0x1b: {  	s9 =	sadd.s32 $0xFFFFFEF7, lr;
	s5 =	simm.s32 $0xFFFFFFFF;
	p2 =	slt.u32 s8, $0xFFFFF086  }
0x1c: {  	p1 =	slt.u32 s9, $0xF7A;
	s5 =	simm.s32 @!p2 $0x0  }
0x1d: {  	s5 =	simm.s32 @p1 $0x1;
	p0 =	seq.s32 s7, s2  }
0x1e: {  	s7 =	smul.u32 @!p0 $0xF7A, s2;
	p2 =	seq.s32 @!p0 s5, $0x0  }
0x1f: {  	s9 =	smul.u32 $0xF7A, s1;
	s8 =	simm.s32 @!p0 $0x1BF5;
	p2 =	por !p2, p0  }
0x20: {  	[sflag:s8] =	ssyncset.s32 @!p0 $0xFFFFF086;
	s6 =	sadd.s32 @!p0 s3, s7;
	s7 =	simm.s32 @!p0 $0x108  }
0x21: {  	s3 =	sadd.s32 s3, s9;
	s6 =	sadd.s32 @!p0 $0x88, s6;
	s7 =	simm.s32 @p2 $0x1082  }
0x22: {  	[simem:s7], [sflag:s8] =	dma.local @!p0 [hbm:s6], $0xF7A  }
0x23: {  	s9 =	sor.u32 $0xD0000000, s2;
	s6 =	simm.s32 $0x108;
	_ =	swait.ge @!p0 [sflag:s8], $0x0  }
0x24: {  	s3 =	sadd.s32 $0x88, s3;
	s6 =	simm.s32 @!p1 $0x1082;
	[sflag:s4] =	ssyncset.s32 $0xFFFFF086  }
0x25: {  	[simem:s6], [sflag:s4] =	dma.local [hbm:s3], $0xF7A  }
0x26: {  	[smem:$0x3F9F] =	sst s1;
	(tag) =	ssettag s2;
	_ =	strace s9  }
0x27: {  	s1 =	sld [smem:$0x3FAF]  }
0x28: {  	s2 =	sld [smem:$0x3FB0]  }
0x29: {  	s4 =	sld [smem:$0x3FB2]  }
0x2a: {  	p0 =	seq.s32 s5, $0x0;
	s5 =	sld [smem:$0x3FB3]  }
0x2b: {  	s6 =	sld [smem:$0x3FB4]  }
0x2c: {  	s7 =	sld [smem:$0x3FB5]  }
0x2d: {  	s3 =	simm.s32 $0x108;
	s8 =	sld [smem:$0x3FB6]  }
0x2e: {  	s3 =	simm.s32 @!p0 $0x1082;
	s9 =	sld [smem:$0x3FB7]  }
0x2f: {  	lr =	sadd.s32 s0, s3;
	s0 =	sld [smem:$0x3FAE]  }
0x30: {  	s3 =	sld [smem:$0x3FB1]  }
0x31: {  	[smem:$0x3FBA] =	sst s10  }
0x32: {  	s10 =	sld [smem:$0x3FB8];
	_ =	sdelay $0x3  }
0x33: {  	p0 =	seq.s32 s10, $0x1;
	s10 =	sld [smem:$0x3FBA];
	_ =	sdelay $0x3  }
0x34: {  	[smem:$0x3FBA] =	sst s10  }
0x35: {  	s10 =	sld [smem:$0x3FB9];
	_ =	sdelay $0x3  }
0x36: {  	p1 =	seq.s32 s10, $0x1;
	s10 =	sld [smem:$0x3FBA];
	_ =	sdelay $0x3  }
0x37: {  	[smem:$0x3FBA] =	sst s10  }
0x38: {  	s10 =	sld [smem:$0x3FBB]  }
0x39: {  	_ = 	snop;
	(pc) =	sbr.ind lr, $3  }
0x3a: {  	_ = 	snop  }
0x3b: {  	_ = 	snop  }
0x3c: {  	p2 =	seq.s32 s10, $0x1;
	s10 =	sld [smem:$0x3FBA]  }
0x3d: {  	_ =	shalt  }
0x3e: {  	_ =	shalt  }
0x3f: {  	_ =	shalt  }
0x40: {  	_ =	shalt  }
0x41: {  	_ =	shalt  }
0x42: {  	_ =	shalt  }
0x43: {  	_ =	shalt  }
0x44: {  	_ =	shalt  }
0x45: {  	_ =	shalt  }
0x46: {  	_ =	shalt  }
0x47: {  	_ =	shalt  }
0x48: {  	_ =	shalt  }
0x49: {  	_ =	shalt  }
0x4a: {  	_ =	shalt  }
0x4b: {  	_ =	shalt  }
0x4c: {  	_ =	shalt  }
0x4d: {  	_ =	shalt  }
0x4e: {  	_ =	shalt  }
0x4f: {  	_ =	shalt  }
0x50: {  	_ =	shalt  }
0x51: {  	_ =	shalt  }
0x52: {  	_ =	shalt  }
0x53: {  	_ =	shalt  }
0x54: {  	_ =	shalt  }
0x55: {  	_ =	shalt  }
0x56: {  	_ =	shalt  }
0x57: {  	_ =	shalt  }
0x58: {  	_ =	shalt  }
0x59: {  	_ =	shalt  }
0x5a: {  	_ =	shalt  }
0x5b: {  	_ =	shalt  }
0x5c: {  	_ =	shalt  }
0x5d: {  	_ =	shalt  }
0x5e: {  	_ =	shalt  }
0x5f: {  	_ =	shalt  }
0x60: {  	_ =	shalt  }
0x61: {  	_ =	shalt  }
0x62: {  	_ =	shalt  }
0x63: {  	_ =	shalt  }
0x64: {  	_ =	shalt  }
0x65: {  	_ =	shalt  }
0x66: {  	_ =	shalt  }
0x67: {  	_ =	shalt  }
0x68: {  	_ =	shalt  }
0x69: {  	_ =	shalt  }
0x6a: {  	_ =	shalt  }
0x6b: {  	_ =	shalt  }
0x6c: {  	_ =	shalt  }
0x6d: {  	_ =	shalt  }
0x6e: {  	_ =	shalt  }
0x6f: {  	_ =	shalt  }
0x70: {  	_ =	shalt  }
0x71: {  	_ =	shalt  }
0x72: {  	_ =	shalt  }
0x73: {  	_ =	shalt  }
0x74: {  	_ =	shalt  }
0x75: {  	_ =	shalt  }
0x76: {  	_ =	shalt  }
0x77: {  	_ =	shalt  }
0x78: {  	_ =	shalt  }
0x79: {  	_ =	shalt  }
0x7a: {  	_ =	shalt  }
0x7b: {  	_ =	shalt  }
0x7c: {  	_ =	shalt  }
0x7d: {  	_ =	shalt  }
0x7e: {  	_ =	shalt  }
0x7f: {  	_ =	shalt  }
0x80: {  	_ =	shalt  }
0x81: {  	_ =	shalt  }
0x82: {  	_ =	shalt  }
0x83: {  	_ =	shalt  }
0x84: {  	_ =	shalt  }
0x85: {  	_ =	shalt  }
0x86: {  	_ =	shalt  }
0x87: {  	_ =	shalt  }
.Lfunc_end0:
.L_simem_size_0:
called_computation_lowered:
.L_overlay_start_0:
0x88: {  	s2 =	sld [smem:$0x3FD9]  }
0x89: {  	s3 =	sld [smem:$0x3FFE];
	_ =	sdelay $0x1  }
0x8a: {  	s1 =	srdreg.scid  }
0x8b: {  	s0 =	sand.u32 $0x1, s1  }
0x8c: {  	s14 =	sshll.u32 s0, $0xA;
	s2 =	sadd.s32 s3, s2  }
0x8d: {  	s2 =	sadd.s32 s2, s14  }
0x8e: {  	[smem:$0x3FC6] =	sst s2  }
0x8f: {  	_ = 	snop  }
0x90: {  	s2 =	sld [smem:$0x3FD0];
	_ =	sdelay $0x2  }
0x91: {  	s15 =	simm.s32 $0xA;
	s4 =	simm.s32 $0x10  }
0x92: {  	[smem:s4], [sflag:s15] =	dma.local [hbm:s2], $0x1  }
0x93: {  	_ =	swait.eq [sflag:s15], $0x1  }
0x94: {  	[sflag:s15] =	ssyncset.done $0x0  }
0x95: {  	s16 =	sld [smem:$0x10];
	[sflag:s15] =	ssyncadd.s32 $0xFFFFFFFF  }
0x96: {  	s17 =	sld [smem:$0x13];
	(tm) =	ssettm $0x1  }
0x97: {  	s18 =	sld [smem:$0x3FFB];
	_ =	sdelay $0x3  }
0x98: {  	_ =	strace s18  }
0x99: {  	s4 =	sld [smem:$0x3FFC];
	_ =	sdelay $0x3  }
0x9a: {  	_ =	strace s4  }
0x9b: {  	s4 =	sld [smem:$0x3FFD];
	_ =	sdelay $0x3  }
0x9c: {  	_ =	strace s4  }
0x9d: {  	_ =	strace $0x8FFFFFFF  }
0x9e: {  	s19 =	sld [smem:$0x3FDB];
	_ =	sdelay $0x1  }
0x9f: {  	s5 =	simm.s32 $_scs_section_size  }
0xa0: {  	s6 =	simm.s32 $_size__tile_overlayer_lowered;
	s7 =	simm.s32 $_tile_overlayer_lowered  }
0xa1: {  	s22 =	simm.s32 $0x1BFF;
	s21 =	sshll.u32 s7, $0x1;
	s4 =	sadd.s32 s5, s19  }
0xa2: {  	s8 =	simm.s32 $0x0;
	s20 =	sshll.u32 s6, $0x1;
	s6 =	sadd.s32 s21, s4  }
0xa3: {  	[timem:s8], [sflag:s22] =	dma.local [hbm:s6], s20  }
0xa4: {  	_ =	swait.ge [sflag:s22], s20  }
0xa5: {  	s5 =	ssub.s32 $0x0, s20;
	[sflag:s22] =	ssyncset.done $0x0  }
0xa6: {  	[sflag:s22] =	ssyncadd.s32 s5;
	_ =	sdelay $0x1  }
0xa7: {  	s23 =	simm.s32 $0x1B8B  }
0xa8: {  	_ =	swait.ge [sflag:s23], $0x1  }
0xa9: {  	[sflag:s23] =	ssyncset.done $0x0  }
0xaa: {  	s25 =	simm.s32 $0x1B8E;
	s24 =	sld [smem:$0x3FFE];
	[sflag:s23] =	ssyncadd.s32 $0xFFFFFFFF  }
0xab: {  	s26 =	simm.s32 $execute0_lowered;
	[smem:$0x3FD2] =	sst s25  }
0xac: {  	s6 =	sshll.u32 s26, $0x1;
	_ =	strace $0x80000046;
	[dreg:$0x1] =	wrdreg $0xFFFFFFFF  }
0xad: {  	s28 =	simm.s32 $_size_execute0_lowered;
	s4 =	sadd.s32 s4, s6;
	[dreg:$0x0] =	wrdreg $0x0  }
0xae: {  	s6 =	sshll.u32 s28, $0x1;
	[dreg:$0x2] =	wrdreg s4  }
0xaf: {  	[dreg:$0x3] =	wrdreg s6  }
0xb0: {  	[dreg:$0x4] =	wrdreg $0xC0  }
0xb1: {  	_ =	task [dreg:s8], $0x5FFFF  }
0xb2: {  	[dreg:$0x1] =	wrdreg $0xFFFFFFFF  }
0xb3: {  	[dreg:$0x0] =	wrdreg $0x60  }
0xb4: {  	[dreg:$0x2] =	wrdreg s24  }
0xb5: {  	[dreg:$0x3] =	wrdreg s17  }
0xb6: {  	[dreg:$0x4] =	wrdreg s16  }
0xb7: {  	[dreg:$0x5] =	wrdreg $0x9  }
0xb8: {  	_ =	task.clear_ibuf [dreg:s8], $0x6FFFF;
	_ =	strace $0x90000046  }
0xb9: {  	s29 =	simm.s32 $0x9;
	_ =	strace $0x80000048  }
0xba: {  	_ =	swait.ge [sflag:s29], $0x1  }
0xbb: {  	[sflag:s29] =	ssyncadd.s32 $0xFFFFFFFF  }
0xbc: {  	_ =	strace $0x90000048  }
0xbd: {  	_ =	sfence  }
0xbe: {  	s30 =	sld [smem:$0x0];
	_ =	sdelay $0x2  }
0xbf: {  	s31 =	sshll.u32 s1, $0xD;
	s1 =	sshrl.u32 s1, $0x2  }
0xc0: {  	s3 =	sand.u32 $0x4000, s31;
	s1 =	sadd.s32 s1, s30  }
0xc1: {  	s0 =	sor.u32 s3, s0;
	s1 =	sshll.u32 s1, $0x11  }
0xc2: {  	s0 =	sor.u32 s1, s0  }
0xc3: {  	s0 =	sadd.s32 $0x8F2B, s0  }
0xc4: {  	[sflag:s0] =	ssyncadd.remote.s32 $0x1  }
0xc5: {  	_ =	sfence.sel $0xFFFF  }
0xc6: {  	[dreg:$0x0] =	wrdreg $0xFFFFFFFF;
	(pc) =	sbr.abs _section_cstart, $3  }
0xc7: {  	[dreg:$0x1] =	wrdreg $0xFFFFFFFF  }
0xc8: {  	_ =	task.clear_ibuf [dreg:s8], $0x2FFFF;
	_ =	strace $0x9FFFFFFF  }
0xc9: {  	(tm) =	ssettm $0x7FFFFFFF  }
tec
execute0_lowered:
.L_overlay_start_1:
0x0: {  	(tag) =	ssettag $0x1  }
0x1: {  	s5 =	rddreg [dreg:$0x0]  }
0x2: {  	s1 =	srdreg.scid;
	s3 =	rddreg [dreg:$0x1]  }
0x3: {  	s0 =	stileid.u32;
	s8 =	rddreg [dreg:$0x2];
	s6 =	sand.u32 $0x1, s1  }
0x4: {  	s2 =	simm.s32 $0x0;
	s4 =	sshll.u32 s0, $0xA;
	s7 =	sshll.u32 s6, $0x9  }
0x5: {  	[smem:$0x7FF] =	sst s2;
	s9 =	sor.u32 s7, s4  }
0x6: {  	s1 =	rddreg [dreg:$0x3];
	_ =	strace $0x80000047;
	s4 =	sshrl.u32 s9, $0x3  }
0x7: {  	s10 =	ssub.s32 $0x2, s6;
	s4 =	sadd.s32 s3, s4;
	s3 =	simm.s32 $0x2  }
0x8: {  	[tilespmem:s2], [sflag:$0x2] =	stream.linear.gather [hbm4b:s4+s2], $0x200, $0x38;
	[tilespmem:$0x10200] =	vst v63  }
0x9: {  	s5 =	sadd.s32 $0x1000, s5;
	s11 =	sshrl.u32 s10, $0x1;
	_ =	swait.ge [sflag:s3], $0x200  }
0xa: {  	s6 =	simm.s32 $0x200;
	s10 =	ssub.s32 s10, s11;
	[sflag:s3] =	ssyncset.done $0x0  }
0xb: {  	s7 =	simm.s32 $0x1;
	s31 =	smax.u32 s10, $0x1;
	[sflag:s3] =	ssyncadd.s32 $0xFFFFFE00  }
0xc: {  	[tilespmem:s6], [sflag:$0x1] =	stream.indirect.gather [hbm4b:s5+s6], $0x80, s2, s6, $0xb8;
	[tilespmem:$0x10200] =	vst v63  }
0xd: {  	p0 =	sne.s32 s31, $0x1;
	_ =	swait.ge [sflag:s7], $0x10000  }
.Ltmp0:
0xe: {  	s9 =	sshll.u32 s9, $0x4;
	[sflag:s7] =	ssyncset.done $0x0;
	(pc) =	sbr.rel @!p0 .LBB2_2-.Ltmp0, $4  }
0xf: {  	s8 =	sadd.s32 s8, s9;
	[sflag:s7] =	ssyncadd.s32 $0xFFFF0000  }
0x10: {  	[hbm4b:s8+s2] =	stream.linear.scatter [tilespmem:s6], [sflag:$0x2], $0x10000, $0x38;
	[tilespmem:$0x10200] =	vst v63  }
0x11: {  	_ =	swait.ge [sflag:s3], $0x10000  }
0x12: {  	s9 =	sadd.s32 $0xFFFFFFFF, s31;
	[sflag:s3] =	ssyncset.done $0x0  }
.LBB2_1:
0x13: {  	p0 =	sne.s32 s9, $0x1;
	s9 =	sadd.s32 $0xFFFFFFFF, s9;
	[sflag:s3] =	ssyncadd.s32 $0xFFFF0000  }
0x14: {  	[tilespmem:s2], [sflag:$0x2] =	stream.linear.gather [hbm4b:s4+s2], $0x200, $0x38;
	[tilespmem:$0x10200] =	vst v63  }
0x15: {  	_ =	swait.ge [sflag:s3], $0x200  }
0x16: {  	[sflag:s3] =	ssyncset.done $0x0  }
0x17: {  	[sflag:s3] =	ssyncadd.s32 $0xFFFFFE00  }
0x18: {  	[tilespmem:s6], [sflag:$0x1] =	stream.indirect.gather [hbm4b:s5+s6], $0x80, s2, s6, $0xb8;
	[tilespmem:$0x10200] =	vst v63  }
0x19: {  	_ =	swait.ge [sflag:s7], $0x10000  }
.Ltmp1:
0x1a: {  	[sflag:s7] =	ssyncset.done $0x0;
	(pc) =	sbr.rel @p0 .LBB2_1-.Ltmp1, $4  }
0x1b: {  	[sflag:s7] =	ssyncadd.s32 $0xFFFF0000  }
0x1c: {  	[hbm4b:s8+s2] =	stream.linear.scatter [tilespmem:s6], [sflag:$0x2], $0x10000, $0x38;
	[tilespmem:$0x10200] =	vst v63  }
0x1d: {  	_ =	swait.ge [sflag:s3], $0x10000  }
0x1e: {  	[sflag:s3] =	ssyncset.done $0x0  }
.LBB2_2:
0x1f: {  	[sflag:s3] =	ssyncadd.s32 $0xFFFF0000  }
0x20: {  	_ =	sfence.sel $0x180000  }
0x21: {  	[bflag:$0x0] =	sbarrier.arrive $0xFFFF  }
0x22: {  	p0 =	sne.s32 s0, $0x0;
	_ =	strace $0x90000047  }
0x23: {  	s0 =	sadd.s32 @!p0 $0x100000, s1;
	[bflag:$0x2] =	sbarrier.arrive $0xFFFF  }
0x24: {  	[sflag:s0] =	ssyncadd.tile.s32 @!p0 $0x1;
	_ =	shalt  }
.Lfunc_end2:
_tile_overlayer_lowered:
.L_overlay_start_2:
0x25: {  	(tag) =	ssettag $0x2  }
0x26: {  	s0 =	rddreg [dreg:$0x0];
	s2 =	stileid.u32  }
0x27: {  	s1 =	rddreg [dreg:$0x1];
	p0 =	sne.s32 s2, $0x0  }
0x28: {  	s3 =	rddreg [dreg:$0x2];
	[bflag:$0x3] =	sbarrier.arrive $0xFFFF;
	s2 =	simm.s32 @!p0 $0x1C02  }
0x29: {  	[timem:s3], [sflag:s2] =	dma.local @!p0 [hbm:s0], s1  }
0x2a: {  	s0 =	simm.s32 @!p0 $0x2  }
0x2b: {  	_ =	swait.ge @!p0 [sflag:s0], s1  }
0x2c: {  	s1 =	ssub.s32 @!p0 $0x0, s1;
	[sflag:s0] =	ssyncset.done @!p0 $0x0  }
0x2d: {  	[sflag:s0] =	ssyncadd.s32 @!p0 s1  }
0x2e: {  	[bflag:$0x3] =	sbarrier.arrive $0xFFFF  }
0x2f: {  	_ =	shalt  }

</sc_bundles>
